<compile_context>
chip_gen: v7x
topology: tpu7x:2x2x1
jax: 0.10.2.dev20260603
libtpu: 0.0.44.dev20260713+nightly
codegen_flags: <defaults>
</compile_context>

<pallas_src>
import functools

import jax
import jax.numpy as jnp
from jax import lax
from jax.experimental import pallas as pl
from jax.experimental.pallas import tpu as pltpu
from jax.experimental.pallas import tpu_sc as plsc

NSIZE = 1000000
EM = 64
B = 4096
NNEG = 20

NW = 32
RL = B * NNEG + B
PER_W = RL // NW
CHUNK = 2688
NCH = PER_W // CHUNK

PS = 32768
PGRID = (NSIZE + PS - 1) // PS

BE = B
NEG_BLKS = B * NNEG // BE


def _project_body(tblT, w8, o0, o1, o2, o3):
    P = lax.dot_general(w8[...], tblT[...], (((1,), (0,)), ((), ())),
                        preferred_element_type=jnp.float32)
    o0[...] = P[0, :]
    o1[...] = P[1, :]
    o2[...] = P[2, :]
    o3[...] = P[3, :]


def _project_tc(tableT, w8):
    out_shapes = tuple(
        jax.ShapeDtypeStruct((NSIZE,), jnp.float32) for _ in range(4))
    return pl.pallas_call(
        _project_body,
        grid=(PGRID,),
        in_specs=[
            pl.BlockSpec((EM, PS), lambda i: (0, i)),
            pl.BlockSpec((8, EM), lambda i: (0, 0)),
        ],
        out_specs=tuple(pl.BlockSpec((PS,), lambda i: (i,))
                        for _ in range(4)),
        out_shape=out_shapes,
    )(tableT, w8)


def _gather_proj_sc(p0, p1, p2, p3, idx_l, idx_r):
    mesh = plsc.VectorSubcoreMesh(core_axis_name="c", subcore_axis_name="s")

    @functools.partial(
        pl.kernel,
        out_type=tuple(
            jax.ShapeDtypeStruct((1, RL), jnp.float32) for _ in range(4)),
        mesh=mesh,
        compiler_params=pltpu.CompilerParams(use_tc_tiling_on_sc=False),
        scratch_types=[
            pltpu.VMEM((PER_W,), jnp.int32),
            pltpu.VMEM((PER_W,), jnp.int32),
            pltpu.VMEM((CHUNK,), jnp.float32),
            pltpu.VMEM((CHUNK,), jnp.float32),
            pltpu.VMEM((CHUNK,), jnp.float32),
            pltpu.VMEM((CHUNK,), jnp.float32),
            pltpu.SemaphoreType.DMA,
        ],
    )
    def gather_kernel(p0_h, p1_h, p2_h, p3_h, il_h, ir_h,
                      o0_h, o1_h, o2_h, o3_h,
                      il_v, ir_v, s0, s1, s2, s3, sem):
        wid = lax.axis_index("s") * 2 + lax.axis_index("c")
        base = wid * PER_W
        pltpu.sync_copy(il_h.at[pl.ds(base, PER_W)], il_v)
        pltpu.sync_copy(ir_h.at[pl.ds(base, PER_W)], ir_v)
        for c in range(NCH):
            il_c = il_v.at[pl.ds(c * CHUNK, CHUNK)]
            ir_c = ir_v.at[pl.ds(c * CHUNK, CHUNK)]
            cps = [
                pltpu.async_copy(p0_h.at[il_c], s0, sem),
                pltpu.async_copy(p1_h.at[il_c], s1, sem),
                pltpu.async_copy(p2_h.at[ir_c], s2, sem),
                pltpu.async_copy(p3_h.at[ir_c], s3, sem),
            ]
            for cp in cps:
                cp.wait()
            dst = pl.ds(base + c * CHUNK, CHUNK)
            pltpu.sync_copy(s0, o0_h.at[0, dst])
            pltpu.sync_copy(s1, o1_h.at[0, dst])
            pltpu.sync_copy(s2, o2_h.at[0, dst])
            pltpu.sync_copy(s3, o3_h.at[0, dst])

    return gather_kernel(p0, p1, p2, p3, idx_l, idx_r)


def _score_body(nA0, nA1, nB0, nB1, eA0, eA1, eB0, eB1, kd, prm,
                inten_o, surv_o):
    b0 = prm[0]
    b1 = prm[1]
    psi0 = prm[2]
    psi1 = prm[3]
    sp = lambda s, p: p * jnp.log1p(jnp.exp(s / p))

    a0e = eA0[...]
    a1e = eA1[...]
    b0e = eB0[...]
    b1e = eB1[...]

    sc0 = a0e + b0e + b0
    sc1 = a1e + b1e + b1
    k0 = kd[...] == 0
    sck = jnp.where(k0, sc0, sc1)
    psik = jnp.where(k0, psi0, psi1)
    inten_o[...] = psik * jnp.log1p(jnp.exp(sck / psik))

    acc = jnp.zeros((1, B), jnp.float32)
    for n in range(NNEG):
        s = pl.ds(n * B, B)
        acc += (sp(a0e + nB0[:, s] + b0, psi0)
                + sp(a1e + nB1[:, s] + b1, psi1)
                + sp(nA0[:, s] + b0e + b0, psi0)
                + sp(nA1[:, s] + b1e + b1, psi1))
    surv_o[...] = acc * (1.0 / NNEG)


def _score_tc(a0, a1, bb0, bb1, kd, prm):
    neg_spec = pl.BlockSpec((1, B * NNEG), lambda i: (0, 0))
    ev_spec = pl.BlockSpec((1, B), lambda i: (0, NNEG))
    out_spec = pl.BlockSpec((1, B), lambda i: (0, 0))
    out_shapes = (
        jax.ShapeDtypeStruct((1, B), jnp.float32),
        jax.ShapeDtypeStruct((1, B), jnp.float32),
    )
    return pl.pallas_call(
        _score_body,
        grid=(1,),
        in_specs=[neg_spec, neg_spec, neg_spec, neg_spec,
                  ev_spec, ev_spec, ev_spec, ev_spec,
                  out_spec,
                  pl.BlockSpec(memory_space=pltpu.SMEM)],
        out_specs=(out_spec, out_spec),
        out_shape=out_shapes,
    )(a0, a1, bb0, bb1, a0, a1, bb0, bb1, kd, prm)


def kernel(table, W0, b0, W1, b1, psi, events, negs):
    v1 = events[:, 0].astype(jnp.int32)
    v2 = events[:, 1].astype(jnp.int32)
    kd = events[:, 4].astype(jnp.int32)[None, :]

    negT = jnp.transpose(negs.astype(jnp.int32), (1, 0, 2))
    idx_l = jnp.concatenate([negT[:, :, 0].reshape(-1), v1])
    idx_r = jnp.concatenate([negT[:, :, 1].reshape(-1), v2])

    tableT = jnp.swapaxes(table, 0, 1)
    w0a = W0[:EM, 0]
    w0b = W0[EM:, 0]
    w1a = W1[:EM, 0]
    w1b = W1[EM:, 0]
    w8 = jnp.stack([w0a, w1a, w0b, w1b] + [jnp.zeros((EM,), jnp.float32)] * 4)

    p0, p1, p2, p3 = _project_tc(tableT, w8)
    a0, a1, bb0, bb1 = _gather_proj_sc(p0, p1, p2, p3, idx_l, idx_r)

    prm = jnp.stack([b0[0], b1[0], psi[0, 0], psi[1, 0]])
    inten, surv = _score_tc(a0, a1, bb0, bb1, kd, prm)
    return inten, surv

# --- scband reference (transcript-rebuilt; emitter-appended) ---
"""Pipeline reference for scband-dynemb-52089363366206 (READ-ONLY COPY).

The authoritative reference and input builder live on the scoring server;
editing this copy changes nothing except your own understanding.
"""

import jax, jax.numpy as jnp
import numpy as np

NSIZE = 1000000
EM = 64
B = 4096
NNEG = 20
NUM_DYN = 2


def setup_inputs(seed: int = 0) -> dict:
    key = jax.random.key(seed)
    k1, k2, k3, k4, k5, k6, k7 = jax.random.split(key, 7)
    table = jax.random.normal(k1, (NSIZE, EM), jnp.float32) * 0.02
    W0 = jax.random.normal(k2, (2 * EM, 1), jnp.float32) / np.sqrt(2 * EM)
    b0 = jnp.zeros((1,), jnp.float32)
    W1 = jax.random.normal(k3, (2 * EM, 1), jnp.float32) / np.sqrt(2 * EM)
    b1 = jnp.zeros((1,), jnp.float32)
    psi = jnp.ones((NUM_DYN, 1), jnp.float32)
    v1 = jax.random.randint(k4, (B,), 0, NSIZE)
    v2 = jax.random.randint(k5, (B,), 0, NSIZE)
    kdyn = jax.random.randint(k6, (B,), 0, NUM_DYN)
    zeros = jnp.zeros_like(v1)
    events = jnp.stack([v1, v2, zeros, zeros, kdyn], axis=1)  # [B,5] like input tuples
    negs = jax.random.randint(k7, (B, NNEG, 2), 0, NSIZE)  # (v1_other, v2_other) samples
    return {"table": table, "W0": W0, "b0": b0, "W1": W1, "b1": b1, "psi": psi, "events": events, "negs": negs}


def reference(table, W0, b0, W1, b1, psi, events, negs):
    v1 = events[:, 0]
    v2 = events[:, 1]
    kdyn = events[:, 4]
    e1 = jnp.take(table, v1, axis=0)  # [B, EM] embedding gather
    e2 = jnp.take(table, v2, axis=0)

    def scores(a, b):
        # computeScore for both dynamics k=0 (g_0) and k=1 (g_1)
        cat = jnp.concatenate([a, b], axis=-1)
        s0 = cat @ W0 + b0
        s1 = cat @ W1 + b1
        return jnp.concatenate([s0, s1], axis=-1)  # [..., 2]

    sc = scores(e1, e2)  # [B, 2]
    sck = jnp.take_along_axis(sc, kdyn[:, None], axis=1)[:, 0]  # per-event dynamic k
    psik = psi[kdyn, 0]
    # intensityActivation: psi * log(1 + exp(score / psi))
    intensity = psik * jnp.log1p(jnp.exp(sck / psik))  # [B]

    # computeSurvival: N negative pairs per event, summed over both dynamics
    n1 = jnp.take(table, negs[:, :, 0], axis=0)  # [B, NNEG, EM]
    n2 = jnp.take(table, negs[:, :, 1], axis=0)
    e1b = jnp.broadcast_to(e1[:, None, :], n2.shape)
    e2b = jnp.broadcast_to(e2[:, None, :], n1.shape)
    s_v1 = scores(e1b, n2)  # [B, NNEG, 2] score(v1_curr_em, v2_other_emb)
    s_v2 = scores(n1, e2b)  # [B, NNEG, 2] score(v1_other_emb, v2_curr_em)
    psir = psi[:, 0]  # [2]
    i_v1 = psir * jnp.log1p(jnp.exp(s_v1 / psir))
    i_v2 = psir * jnp.log1p(jnp.exp(s_v2 / psir))
    surv = (i_v1.sum(axis=(1, 2)) + i_v2.sum(axis=(1, 2))) / NNEG  # [B]

    return intensity[None, :], surv[None, :]

if __name__ == "__main__":
    import jax
    _d = setup_inputs()
    print(jax.jit(kernel)(*tuple(_d.values())))

</pallas_src>

<mosaic_0001>
#map = affine_map<(d0, d1) -> (0)>
#map1 = affine_map<(d0, d1) -> (0, 0)>
module attributes {stable_mosaic.version = 14 : i64} {
  func.func @gather_kernel(%arg0: i32, %arg1: i32, %arg2: memref<1000000xf32, #tpu.memory_space<hbm>>, %arg3: memref<1000000xf32, #tpu.memory_space<hbm>>, %arg4: memref<1000000xf32, #tpu.memory_space<hbm>>, %arg5: memref<1000000xf32, #tpu.memory_space<hbm>>, %arg6: memref<86016xi32, #tpu.memory_space<hbm>>, %arg7: memref<86016xi32, #tpu.memory_space<hbm>>, %arg8: memref<1x86016xf32, #tpu.memory_space<hbm>>, %arg9: memref<1x86016xf32, #tpu.memory_space<hbm>>, %arg10: memref<1x86016xf32, #tpu.memory_space<hbm>>, %arg11: memref<1x86016xf32, #tpu.memory_space<hbm>>, %arg12: memref<2688xi32, #tpu.memory_space<vmem>>, %arg13: memref<2688xi32, #tpu.memory_space<vmem>>, %arg14: memref<2688xf32, #tpu.memory_space<vmem>>, %arg15: memref<2688xf32, #tpu.memory_space<vmem>>, %arg16: memref<2688xf32, #tpu.memory_space<vmem>>, %arg17: memref<2688xf32, #tpu.memory_space<vmem>>, %arg18: memref<!tpu.dma_semaphore, #tpu.memory_space<semaphore_mem>>) attributes {dimension_semantics = [#tpu.dimension_semantics<core_parallel>, #tpu.dimension_semantics<subcore_parallel>], iteration_bounds = array<i64: 2, 16>, scalar_prefetch = 0 : i64, scratch_operands = 7 : i64, tpu.core_type = #tpu.core_type<sc_vector_subcore>, window_params = [{transform_indices = #map}, {transform_indices = #map}, {transform_indices = #map}, {transform_indices = #map}, {transform_indices = #map}, {transform_indices = #map}, {transform_indices = #map1}, {transform_indices = #map1}, {transform_indices = #map1}, {transform_indices = #map1}]} {
    %mul3A = arith.constant 2 : i32
    %mul3A_0 = arith.muli %arg1, %mul3A : i32
    %add3A = arith.addi %mul3A_0, %arg0 : i32
    %mul3A_1 = arith.constant 2688 : i32
    %mul3A_2 = arith.muli %add3A, %mul3A_1 : i32
    "tpu.region"() ({
      %run_scoped3A_38 = tpu.sem_alloc : memref<!tpu.dma_semaphore, #tpu.memory_space<semaphore_mem>>
      %dma_start3A_39 = tpu.memref_slice %arg6[%mul3A_2] : memref<86016xi32, #tpu.memory_space<hbm>> -> memref<2688xi32, #tpu.memory_space<hbm>>
      %dma_start3A_40 = tpu.memref_slice %arg6[%mul3A_2] : memref<86016xi32, #tpu.memory_space<hbm>> -> memref<2688xi32, #tpu.memory_space<hbm>>
      tpu.enqueue_dma source(%dma_start3A_40 : memref<2688xi32, #tpu.memory_space<hbm>>) target(%arg12 : memref<2688xi32, #tpu.memory_space<vmem>>) target_semaphore(%run_scoped3A_38 : memref<!tpu.dma_semaphore, #tpu.memory_space<semaphore_mem>>)
      %dma_wait3A_41 = tpu.memref_slice %arg6[%mul3A_2] : memref<86016xi32, #tpu.memory_space<hbm>> -> memref<2688xi32, #tpu.memory_space<hbm>>
      %dma_wait3A_42 = tpu.memref_slice %arg6[%mul3A_2] : memref<86016xi32, #tpu.memory_space<hbm>> -> memref<2688xi32, #tpu.memory_space<hbm>>
      tpu.wait_dma2 semaphore(%run_scoped3A_38 : memref<!tpu.dma_semaphore, #tpu.memory_space<semaphore_mem>>) src(%dma_wait3A_42 : memref<2688xi32, #tpu.memory_space<hbm>>) dst(%arg12 : memref<2688xi32, #tpu.memory_space<vmem>>)
      tpu.yield
    }) : () -> ()
    "tpu.region"() ({
      %run_scoped3A_38 = tpu.sem_alloc : memref<!tpu.dma_semaphore, #tpu.memory_space<semaphore_mem>>
      %dma_start3A_39 = tpu.memref_slice %arg7[%mul3A_2] : memref<86016xi32, #tpu.memory_space<hbm>> -> memref<2688xi32, #tpu.memory_space<hbm>>
      %dma_start3A_40 = tpu.memref_slice %arg7[%mul3A_2] : memref<86016xi32, #tpu.memory_space<hbm>> -> memref<2688xi32, #tpu.memory_space<hbm>>
      tpu.enqueue_dma source(%dma_start3A_40 : memref<2688xi32, #tpu.memory_space<hbm>>) target(%arg13 : memref<2688xi32, #tpu.memory_space<vmem>>) target_semaphore(%run_scoped3A_38 : memref<!tpu.dma_semaphore, #tpu.memory_space<semaphore_mem>>)
      %dma_wait3A_41 = tpu.memref_slice %arg7[%mul3A_2] : memref<86016xi32, #tpu.memory_space<hbm>> -> memref<2688xi32, #tpu.memory_space<hbm>>
      %dma_wait3A_42 = tpu.memref_slice %arg7[%mul3A_2] : memref<86016xi32, #tpu.memory_space<hbm>> -> memref<2688xi32, #tpu.memory_space<hbm>>
      tpu.wait_dma2 semaphore(%run_scoped3A_38 : memref<!tpu.dma_semaphore, #tpu.memory_space<semaphore_mem>>) src(%dma_wait3A_42 : memref<2688xi32, #tpu.memory_space<hbm>>) dst(%arg13 : memref<2688xi32, #tpu.memory_space<vmem>>)
      tpu.yield
    }) : () -> ()
    %dma_start3A = arith.constant 0 : i32
    %dma_start3A_3 = tpu.memref_slice %arg12[%dma_start3A] : memref<2688xi32, #tpu.memory_space<vmem>> -> memref<2688xi32, #tpu.memory_space<vmem>>
    %dma_start3A_4 = arith.constant 0 : i32
    %dma_start3A_5 = tpu.memref_slice %arg2[%dma_start3A_4] : memref<1000000xf32, #tpu.memory_space<hbm>> -> memref<1000000xf32, #tpu.memory_space<hbm>>
    tpu.enqueue_indirect_dma source(%dma_start3A_5 : memref<1000000xf32, #tpu.memory_space<hbm>>) target(%arg14 : memref<2688xf32, #tpu.memory_space<vmem>>) offsets(%dma_start3A_3 : memref<2688xi32, #tpu.memory_space<vmem>>) semaphore(%arg18 : memref<!tpu.dma_semaphore, #tpu.memory_space<semaphore_mem>>)
    %dma_start3A_6 = arith.constant 0 : i32
    %dma_start3A_7 = tpu.memref_slice %arg12[%dma_start3A_6] : memref<2688xi32, #tpu.memory_space<vmem>> -> memref<2688xi32, #tpu.memory_space<vmem>>
    %dma_start3A_8 = arith.constant 0 : i32
    %dma_start3A_9 = tpu.memref_slice %arg3[%dma_start3A_8] : memref<1000000xf32, #tpu.memory_space<hbm>> -> memref<1000000xf32, #tpu.memory_space<hbm>>
    tpu.enqueue_indirect_dma source(%dma_start3A_9 : memref<1000000xf32, #tpu.memory_space<hbm>>) target(%arg15 : memref<2688xf32, #tpu.memory_space<vmem>>) offsets(%dma_start3A_7 : memref<2688xi32, #tpu.memory_space<vmem>>) semaphore(%arg18 : memref<!tpu.dma_semaphore, #tpu.memory_space<semaphore_mem>>)
    %dma_start3A_10 = arith.constant 0 : i32
    %dma_start3A_11 = tpu.memref_slice %arg13[%dma_start3A_10] : memref<2688xi32, #tpu.memory_space<vmem>> -> memref<2688xi32, #tpu.memory_space<vmem>>
    %dma_start3A_12 = arith.constant 0 : i32
    %dma_start3A_13 = tpu.memref_slice %arg4[%dma_start3A_12] : memref<1000000xf32, #tpu.memory_space<hbm>> -> memref<1000000xf32, #tpu.memory_space<hbm>>
    tpu.enqueue_indirect_dma source(%dma_start3A_13 : memref<1000000xf32, #tpu.memory_space<hbm>>) target(%arg16 : memref<2688xf32, #tpu.memory_space<vmem>>) offsets(%dma_start3A_11 : memref<2688xi32, #tpu.memory_space<vmem>>) semaphore(%arg18 : memref<!tpu.dma_semaphore, #tpu.memory_space<semaphore_mem>>)
    %dma_start3A_14 = arith.constant 0 : i32
    %dma_start3A_15 = tpu.memref_slice %arg13[%dma_start3A_14] : memref<2688xi32, #tpu.memory_space<vmem>> -> memref<2688xi32, #tpu.memory_space<vmem>>
    %dma_start3A_16 = arith.constant 0 : i32
    %dma_start3A_17 = tpu.memref_slice %arg5[%dma_start3A_16] : memref<1000000xf32, #tpu.memory_space<hbm>> -> memref<1000000xf32, #tpu.memory_space<hbm>>
    tpu.enqueue_indirect_dma source(%dma_start3A_17 : memref<1000000xf32, #tpu.memory_space<hbm>>) target(%arg17 : memref<2688xf32, #tpu.memory_space<vmem>>) offsets(%dma_start3A_15 : memref<2688xi32, #tpu.memory_space<vmem>>) semaphore(%arg18 : memref<!tpu.dma_semaphore, #tpu.memory_space<semaphore_mem>>)
    %dma_wait3A = arith.constant 0 : i32
    %dma_wait3A_18 = tpu.memref_slice %arg12[%dma_wait3A] : memref<2688xi32, #tpu.memory_space<vmem>> -> memref<2688xi32, #tpu.memory_space<vmem>>
    %dma_wait3A_19 = arith.constant 0 : i32
    %dma_wait3A_20 = tpu.memref_slice %arg2[%dma_wait3A_19] : memref<1000000xf32, #tpu.memory_space<hbm>> -> memref<1000000xf32, #tpu.memory_space<hbm>>
    tpu.wait_indirect_dma semaphore(%arg18 : memref<!tpu.dma_semaphore, #tpu.memory_space<semaphore_mem>>) src(%dma_wait3A_20 : memref<1000000xf32, #tpu.memory_space<hbm>>) dst(%arg14 : memref<2688xf32, #tpu.memory_space<vmem>>)
    %dma_wait3A_21 = arith.constant 0 : i32
    %dma_wait3A_22 = tpu.memref_slice %arg12[%dma_wait3A_21] : memref<2688xi32, #tpu.memory_space<vmem>> -> memref<2688xi32, #tpu.memory_space<vmem>>
    %dma_wait3A_23 = arith.constant 0 : i32
    %dma_wait3A_24 = tpu.memref_slice %arg3[%dma_wait3A_23] : memref<1000000xf32, #tpu.memory_space<hbm>> -> memref<1000000xf32, #tpu.memory_space<hbm>>
    tpu.wait_indirect_dma semaphore(%arg18 : memref<!tpu.dma_semaphore, #tpu.memory_space<semaphore_mem>>) src(%dma_wait3A_24 : memref<1000000xf32, #tpu.memory_space<hbm>>) dst(%arg15 : memref<2688xf32, #tpu.memory_space<vmem>>)
    %dma_wait3A_25 = arith.constant 0 : i32
    %dma_wait3A_26 = tpu.memref_slice %arg13[%dma_wait3A_25] : memref<2688xi32, #tpu.memory_space<vmem>> -> memref<2688xi32, #tpu.memory_space<vmem>>
    %dma_wait3A_27 = arith.constant 0 : i32
    %dma_wait3A_28 = tpu.memref_slice %arg4[%dma_wait3A_27] : memref<1000000xf32, #tpu.memory_space<hbm>> -> memref<1000000xf32, #tpu.memory_space<hbm>>
    tpu.wait_indirect_dma semaphore(%arg18 : memref<!tpu.dma_semaphore, #tpu.memory_space<semaphore_mem>>) src(%dma_wait3A_28 : memref<1000000xf32, #tpu.memory_space<hbm>>) dst(%arg16 : memref<2688xf32, #tpu.memory_space<vmem>>)
    %dma_wait3A_29 = arith.constant 0 : i32
    %dma_wait3A_30 = tpu.memref_slice %arg13[%dma_wait3A_29] : memref<2688xi32, #tpu.memory_space<vmem>> -> memref<2688xi32, #tpu.memory_space<vmem>>
    %dma_wait3A_31 = arith.constant 0 : i32
    %dma_wait3A_32 = tpu.memref_slice %arg5[%dma_wait3A_31] : memref<1000000xf32, #tpu.memory_space<hbm>> -> memref<1000000xf32, #tpu.memory_space<hbm>>
    tpu.wait_indirect_dma semaphore(%arg18 : memref<!tpu.dma_semaphore, #tpu.memory_space<semaphore_mem>>) src(%dma_wait3A_32 : memref<1000000xf32, #tpu.memory_space<hbm>>) dst(%arg17 : memref<2688xf32, #tpu.memory_space<vmem>>)
    %add3A_33 = arith.constant 0 : i32
    %add3A_34 = arith.addi %mul3A_2, %add3A_33 : i32
    %run_scoped3A = arith.constant 0 : i32
    "tpu.region"() ({
      %run_scoped3A_38 = tpu.sem_alloc : memref<!tpu.dma_semaphore, #tpu.memory_space<semaphore_mem>>
      %dma_start3A_39 = tpu.memref_slice %arg8[%run_scoped3A, %add3A_34] : memref<1x86016xf32, #tpu.memory_space<hbm>> -> memref<1x2688xf32, #tpu.memory_space<hbm>>
      %dma_start3A_40 = tpu.memref_squeeze %dma_start3A_39 : memref<1x2688xf32, #tpu.memory_space<hbm>> -> memref<2688xf32, #tpu.memory_space<hbm>>
      %dma_start3A_41 = tpu.memref_slice %arg8[%run_scoped3A, %add3A_34] : memref<1x86016xf32, #tpu.memory_space<hbm>> -> memref<1x2688xf32, #tpu.memory_space<hbm>>
      %dma_start3A_42 = tpu.memref_squeeze %dma_start3A_41 : memref<1x2688xf32, #tpu.memory_space<hbm>> -> memref<2688xf32, #tpu.memory_space<hbm>>
      tpu.enqueue_dma source(%arg14 : memref<2688xf32, #tpu.memory_space<vmem>>) target(%dma_start3A_42 : memref<2688xf32, #tpu.memory_space<hbm>>) target_semaphore(%run_scoped3A_38 : memref<!tpu.dma_semaphore, #tpu.memory_space<semaphore_mem>>)
      %dma_wait3A_43 = tpu.memref_slice %arg8[%run_scoped3A, %add3A_34] : memref<1x86016xf32, #tpu.memory_space<hbm>> -> memref<1x2688xf32, #tpu.memory_space<hbm>>
      %dma_wait3A_44 = tpu.memref_squeeze %dma_wait3A_43 : memref<1x2688xf32, #tpu.memory_space<hbm>> -> memref<2688xf32, #tpu.memory_space<hbm>>
      %dma_wait3A_45 = tpu.memref_slice %arg8[%run_scoped3A, %add3A_34] : memref<1x86016xf32, #tpu.memory_space<hbm>> -> memref<1x2688xf32, #tpu.memory_space<hbm>>
      %dma_wait3A_46 = tpu.memref_squeeze %dma_wait3A_45 : memref<1x2688xf32, #tpu.memory_space<hbm>> -> memref<2688xf32, #tpu.memory_space<hbm>>
      tpu.wait_dma2 semaphore(%run_scoped3A_38 : memref<!tpu.dma_semaphore, #tpu.memory_space<semaphore_mem>>) src(%arg14 : memref<2688xf32, #tpu.memory_space<vmem>>) dst(%dma_wait3A_46 : memref<2688xf32, #tpu.memory_space<hbm>>)
      tpu.yield
    }) : () -> ()
    %run_scoped3A_35 = arith.constant 0 : i32
    "tpu.region"() ({
      %run_scoped3A_38 = tpu.sem_alloc : memref<!tpu.dma_semaphore, #tpu.memory_space<semaphore_mem>>
      %dma_start3A_39 = tpu.memref_slice %arg9[%run_scoped3A_35, %add3A_34] : memref<1x86016xf32, #tpu.memory_space<hbm>> -> memref<1x2688xf32, #tpu.memory_space<hbm>>
      %dma_start3A_40 = tpu.memref_squeeze %dma_start3A_39 : memref<1x2688xf32, #tpu.memory_space<hbm>> -> memref<2688xf32, #tpu.memory_space<hbm>>
      %dma_start3A_41 = tpu.memref_slice %arg9[%run_scoped3A_35, %add3A_34] : memref<1x86016xf32, #tpu.memory_space<hbm>> -> memref<1x2688xf32, #tpu.memory_space<hbm>>
      %dma_start3A_42 = tpu.memref_squeeze %dma_start3A_41 : memref<1x2688xf32, #tpu.memory_space<hbm>> -> memref<2688xf32, #tpu.memory_space<hbm>>
      tpu.enqueue_dma source(%arg15 : memref<2688xf32, #tpu.memory_space<vmem>>) target(%dma_start3A_42 : memref<2688xf32, #tpu.memory_space<hbm>>) target_semaphore(%run_scoped3A_38 : memref<!tpu.dma_semaphore, #tpu.memory_space<semaphore_mem>>)
      %dma_wait3A_43 = tpu.memref_slice %arg9[%run_scoped3A_35, %add3A_34] : memref<1x86016xf32, #tpu.memory_space<hbm>> -> memref<1x2688xf32, #tpu.memory_space<hbm>>
      %dma_wait3A_44 = tpu.memref_squeeze %dma_wait3A_43 : memref<1x2688xf32, #tpu.memory_space<hbm>> -> memref<2688xf32, #tpu.memory_space<hbm>>
      %dma_wait3A_45 = tpu.memref_slice %arg9[%run_scoped3A_35, %add3A_34] : memref<1x86016xf32, #tpu.memory_space<hbm>> -> memref<1x2688xf32, #tpu.memory_space<hbm>>
      %dma_wait3A_46 = tpu.memref_squeeze %dma_wait3A_45 : memref<1x2688xf32, #tpu.memory_space<hbm>> -> memref<2688xf32, #tpu.memory_space<hbm>>
      tpu.wait_dma2 semaphore(%run_scoped3A_38 : memref<!tpu.dma_semaphore, #tpu.memory_space<semaphore_mem>>) src(%arg15 : memref<2688xf32, #tpu.memory_space<vmem>>) dst(%dma_wait3A_46 : memref<2688xf32, #tpu.memory_space<hbm>>)
      tpu.yield
    }) : () -> ()
    %run_scoped3A_36 = arith.constant 0 : i32
    "tpu.region"() ({
      %run_scoped3A_38 = tpu.sem_alloc : memref<!tpu.dma_semaphore, #tpu.memory_space<semaphore_mem>>
      %dma_start3A_39 = tpu.memref_slice %arg10[%run_scoped3A_36, %add3A_34] : memref<1x86016xf32, #tpu.memory_space<hbm>> -> memref<1x2688xf32, #tpu.memory_space<hbm>>
      %dma_start3A_40 = tpu.memref_squeeze %dma_start3A_39 : memref<1x2688xf32, #tpu.memory_space<hbm>> -> memref<2688xf32, #tpu.memory_space<hbm>>
      %dma_start3A_41 = tpu.memref_slice %arg10[%run_scoped3A_36, %add3A_34] : memref<1x86016xf32, #tpu.memory_space<hbm>> -> memref<1x2688xf32, #tpu.memory_space<hbm>>
      %dma_start3A_42 = tpu.memref_squeeze %dma_start3A_41 : memref<1x2688xf32, #tpu.memory_space<hbm>> -> memref<2688xf32, #tpu.memory_space<hbm>>
      tpu.enqueue_dma source(%arg16 : memref<2688xf32, #tpu.memory_space<vmem>>) target(%dma_start3A_42 : memref<2688xf32, #tpu.memory_space<hbm>>) target_semaphore(%run_scoped3A_38 : memref<!tpu.dma_semaphore, #tpu.memory_space<semaphore_mem>>)
      %dma_wait3A_43 = tpu.memref_slice %arg10[%run_scoped3A_36, %add3A_34] : memref<1x86016xf32, #tpu.memory_space<hbm>> -> memref<1x2688xf32, #tpu.memory_space<hbm>>
      %dma_wait3A_44 = tpu.memref_squeeze %dma_wait3A_43 : memref<1x2688xf32, #tpu.memory_space<hbm>> -> memref<2688xf32, #tpu.memory_space<hbm>>
      %dma_wait3A_45 = tpu.memref_slice %arg10[%run_scoped3A_36, %add3A_34] : memref<1x86016xf32, #tpu.memory_space<hbm>> -> memref<1x2688xf32, #tpu.memory_space<hbm>>
      %dma_wait3A_46 = tpu.memref_squeeze %dma_wait3A_45 : memref<1x2688xf32, #tpu.memory_space<hbm>> -> memref<2688xf32, #tpu.memory_space<hbm>>
      tpu.wait_dma2 semaphore(%run_scoped3A_38 : memref<!tpu.dma_semaphore, #tpu.memory_space<semaphore_mem>>) src(%arg16 : memref<2688xf32, #tpu.memory_space<vmem>>) dst(%dma_wait3A_46 : memref<2688xf32, #tpu.memory_space<hbm>>)
      tpu.yield
    }) : () -> ()
    %run_scoped3A_37 = arith.constant 0 : i32
    "tpu.region"() ({
      %run_scoped3A_38 = tpu.sem_alloc : memref<!tpu.dma_semaphore, #tpu.memory_space<semaphore_mem>>
      %dma_start3A_39 = tpu.memref_slice %arg11[%run_scoped3A_37, %add3A_34] : memref<1x86016xf32, #tpu.memory_space<hbm>> -> memref<1x2688xf32, #tpu.memory_space<hbm>>
      %dma_start3A_40 = tpu.memref_squeeze %dma_start3A_39 : memref<1x2688xf32, #tpu.memory_space<hbm>> -> memref<2688xf32, #tpu.memory_space<hbm>>
      %dma_start3A_41 = tpu.memref_slice %arg11[%run_scoped3A_37, %add3A_34] : memref<1x86016xf32, #tpu.memory_space<hbm>> -> memref<1x2688xf32, #tpu.memory_space<hbm>>
      %dma_start3A_42 = tpu.memref_squeeze %dma_start3A_41 : memref<1x2688xf32, #tpu.memory_space<hbm>> -> memref<2688xf32, #tpu.memory_space<hbm>>
      tpu.enqueue_dma source(%arg17 : memref<2688xf32, #tpu.memory_space<vmem>>) target(%dma_start3A_42 : memref<2688xf32, #tpu.memory_space<hbm>>) target_semaphore(%run_scoped3A_38 : memref<!tpu.dma_semaphore, #tpu.memory_space<semaphore_mem>>)
      %dma_wait3A_43 = tpu.memref_slice %arg11[%run_scoped3A_37, %add3A_34] : memref<1x86016xf32, #tpu.memory_space<hbm>> -> memref<1x2688xf32, #tpu.memory_space<hbm>>
      %dma_wait3A_44 = tpu.memref_squeeze %dma_wait3A_43 : memref<1x2688xf32, #tpu.memory_space<hbm>> -> memref<2688xf32, #tpu.memory_space<hbm>>
      %dma_wait3A_45 = tpu.memref_slice %arg11[%run_scoped3A_37, %add3A_34] : memref<1x86016xf32, #tpu.memory_space<hbm>> -> memref<1x2688xf32, #tpu.memory_space<hbm>>
      %dma_wait3A_46 = tpu.memref_squeeze %dma_wait3A_45 : memref<1x2688xf32, #tpu.memory_space<hbm>> -> memref<2688xf32, #tpu.memory_space<hbm>>
      tpu.wait_dma2 semaphore(%run_scoped3A_38 : memref<!tpu.dma_semaphore, #tpu.memory_space<semaphore_mem>>) src(%arg17 : memref<2688xf32, #tpu.memory_space<vmem>>) dst(%dma_wait3A_46 : memref<2688xf32, #tpu.memory_space<hbm>>)
      tpu.yield
    }) : () -> ()
    return
  }
}

module attributes {stable_mosaic.version = 14 : i64} {
  func.func @_project_body(%arg0: i32, %arg1: memref<64x32768xf32, #tpu.memory_space<vmem>>, %arg2: memref<8x64xf32, #tpu.memory_space<vmem>>, %arg3: memref<32768xf32, #tpu.memory_space<vmem>>, %arg4: memref<32768xf32, #tpu.memory_space<vmem>>, %arg5: memref<32768xf32, #tpu.memory_space<vmem>>, %arg6: memref<32768xf32, #tpu.memory_space<vmem>>) attributes {dimension_semantics = [#tpu.dimension_semantics<arbitrary>], iteration_bounds = array<i64: 31>, scalar_prefetch = 0 : i64, scratch_operands = 0 : i64, tpu.core_type = #tpu.core_type<tc>, window_params = [{transform_indices = @transform_0, window_bounds = array<i64: 64, 32768>}, {pipeline_mode = #tpu.pipeline_mode<synchronous>, transform_indices = @transform_1, window_bounds = array<i64: 8, 64>}, {transform_indices = @transform_2, window_bounds = array<i64: 32768>}, {transform_indices = @transform_3, window_bounds = array<i64: 32768>}, {transform_indices = @transform_4, window_bounds = array<i64: 32768>}, {transform_indices = @transform_5, window_bounds = array<i64: 32768>}]} {
    %get3A = arith.constant 0 : index
    %get3A_0 = arith.constant 0 : index
    %get3A_1 = vector.load %arg2[%get3A, %get3A_0] : memref<8x64xf32, #tpu.memory_space<vmem>>, vector<8x64xf32>
    %get3A_2 = arith.constant 0 : index
    %get3A_3 = arith.constant 0 : index
    %get3A_4 = vector.load %arg1[%get3A_2, %get3A_3] : memref<64x32768xf32, #tpu.memory_space<vmem>>, vector<64x32768xf32>
    %dot_general3A = arith.constant dense<0.000000e+00> : vector<8x32768xf32>
    %dot_general3A_5 = tpu.matmul %get3A_1, %get3A_4, %dot_general3A {dimension_numbers = #tpu.dot_dimension_numbers<[1], [0], [0], [1], [0, 0, 1, 1], [], []>, transpose_lhs_hint = false} : vector<8x64xf32>, vector<64x32768xf32>, vector<8x32768xf32> -> vector<8x32768xf32>
    %slice3A = vector.extract_strided_slice %dot_general3A_5 {offsets = [0, 0], sizes = [1, 32768], strides = [1, 1]} : vector<8x32768xf32> to vector<1x32768xf32>
    %squeeze3A = vector.shape_cast %slice3A : vector<1x32768xf32> to vector<32768xf32>
    %swap3A = arith.constant 0 : index
    %swap3A_6 = vector.load %arg3[%swap3A] : memref<32768xf32, #tpu.memory_space<vmem>>, vector<32768xf32>
    tpu.vector_store %arg3[%swap3A], %squeeze3A {strides = array<i32>} : memref<32768xf32, #tpu.memory_space<vmem>>, vector<32768xf32>,
    %slice3A_7 = vector.extract_strided_slice %dot_general3A_5 {offsets = [1, 0], sizes = [1, 32768], strides = [1, 1]} : vector<8x32768xf32> to vector<1x32768xf32>
    %squeeze3A_8 = vector.shape_cast %slice3A_7 : vector<1x32768xf32> to vector<32768xf32>
    %swap3A_9 = arith.constant 0 : index
    %swap3A_10 = vector.load %arg4[%swap3A_9] : memref<32768xf32, #tpu.memory_space<vmem>>, vector<32768xf32>
    tpu.vector_store %arg4[%swap3A_9], %squeeze3A_8 {strides = array<i32>} : memref<32768xf32, #tpu.memory_space<vmem>>, vector<32768xf32>,
    %slice3A_11 = vector.extract_strided_slice %dot_general3A_5 {offsets = [2, 0], sizes = [1, 32768], strides = [1, 1]} : vector<8x32768xf32> to vector<1x32768xf32>
    %squeeze3A_12 = vector.shape_cast %slice3A_11 : vector<1x32768xf32> to vector<32768xf32>
    %swap3A_13 = arith.constant 0 : index
    %swap3A_14 = vector.load %arg5[%swap3A_13] : memref<32768xf32, #tpu.memory_space<vmem>>, vector<32768xf32>
    tpu.vector_store %arg5[%swap3A_13], %squeeze3A_12 {strides = array<i32>} : memref<32768xf32, #tpu.memory_space<vmem>>, vector<32768xf32>,
    %slice3A_15 = vector.extract_strided_slice %dot_general3A_5 {offsets = [3, 0], sizes = [1, 32768], strides = [1, 1]} : vector<8x32768xf32> to vector<1x32768xf32>
    %squeeze3A_16 = vector.shape_cast %slice3A_15 : vector<1x32768xf32> to vector<32768xf32>
    %swap3A_17 = arith.constant 0 : index
    %swap3A_18 = vector.load %arg6[%swap3A_17] : memref<32768xf32, #tpu.memory_space<vmem>>, vector<32768xf32>
    tpu.vector_store %arg6[%swap3A_17], %squeeze3A_16 {strides = array<i32>} : memref<32768xf32, #tpu.memory_space<vmem>>, vector<32768xf32>,
    return
  }
  func.func @transform_0(%arg0: i32) -> (i32, i32) {
    %c0_i32 = arith.constant 0 : i32
    %c0_i32_0 = arith.constant 0 : i32
    return %c0_i32, %arg0 : i32, i32
  }
  func.func @transform_1(%arg0: i32) -> (i32, i32) {
    %c0_i32 = arith.constant 0 : i32
    %c0_i32_0 = arith.constant 0 : i32
    %c0_i32_1 = arith.constant 0 : i32
    return %c0_i32, %c0_i32_0 : i32, i32
  }
  func.func @transform_2(%arg0: i32) -> i32 {
    %c0_i32 = arith.constant 0 : i32
    return %arg0 : i32
  }
  func.func @transform_3(%arg0: i32) -> i32 {
    %c0_i32 = arith.constant 0 : i32
    return %arg0 : i32
  }
  func.func @transform_4(%arg0: i32) -> i32 {
    %c0_i32 = arith.constant 0 : i32
    return %arg0 : i32
  }
  func.func @transform_5(%arg0: i32) -> i32 {
    %c0_i32 = arith.constant 0 : i32
    return %arg0 : i32
  }
}

module attributes {stable_mosaic.version = 14 : i64} {
  func.func @_score_body(%arg0: i32, %arg1: memref<1x81920xf32, #tpu.memory_space<vmem>>, %arg2: memref<1x81920xf32, #tpu.memory_space<vmem>>, %arg3: memref<1x81920xf32, #tpu.memory_space<vmem>>, %arg4: memref<1x81920xf32, #tpu.memory_space<vmem>>, %arg5: memref<1x4096xf32, #tpu.memory_space<vmem>>, %arg6: memref<1x4096xf32, #tpu.memory_space<vmem>>, %arg7: memref<1x4096xf32, #tpu.memory_space<vmem>>, %arg8: memref<1x4096xf32, #tpu.memory_space<vmem>>, %arg9: memref<1x4096xi32, #tpu.memory_space<vmem>>, %arg10: memref<4xf32, #tpu.memory_space<smem>>, %arg11: memref<1x4096xf32, #tpu.memory_space<vmem>>, %arg12: memref<1x4096xf32, #tpu.memory_space<vmem>>) attributes {dimension_semantics = [#tpu.dimension_semantics<arbitrary>], iteration_bounds = array<i64: 1>, scalar_prefetch = 0 : i64, scratch_operands = 0 : i64, tpu.core_type = #tpu.core_type<tc>, window_params = [{transform_indices = @transform_0, window_bounds = array<i64: 1, 81920>}, {transform_indices = @transform_1, window_bounds = array<i64: 1, 81920>}, {transform_indices = @transform_2, window_bounds = array<i64: 1, 81920>}, {transform_indices = @transform_3, window_bounds = array<i64: 1, 81920>}, {transform_indices = @transform_4, window_bounds = array<i64: 1, 4096>}, {transform_indices = @transform_5, window_bounds = array<i64: 1, 4096>}, {transform_indices = @transform_6, window_bounds = array<i64: 1, 4096>}, {transform_indices = @transform_7, window_bounds = array<i64: 1, 4096>}, {pipeline_mode = #tpu.pipeline_mode<synchronous>, transform_indices = @transform_8, window_bounds = array<i64: 1, 4096>}, {transform_indices = @transform_9, window_bounds = array<i64: 4>}, {pipeline_mode = #tpu.pipeline_mode<synchronous>, transform_indices = @transform_10, window_bounds = array<i64: 1, 4096>}, {pipeline_mode = #tpu.pipeline_mode<synchronous>, transform_indices = @transform_11, window_bounds = array<i64: 1, 4096>}]} {
    %get3A = arith.constant 0 : index
    %get3A_0 = memref.load %arg10[%get3A] : memref<4xf32, #tpu.memory_space<smem>>
    %get3A_1 = arith.constant 1 : index
    %get3A_2 = memref.load %arg10[%get3A_1] : memref<4xf32, #tpu.memory_space<smem>>
    %get3A_3 = arith.constant 2 : index
    %get3A_4 = memref.load %arg10[%get3A_3] : memref<4xf32, #tpu.memory_space<smem>>
    %get3A_5 = arith.constant 3 : index
    %get3A_6 = memref.load %arg10[%get3A_5] : memref<4xf32, #tpu.memory_space<smem>>
    %get3A_7 = arith.constant 0 : index
    %get3A_8 = arith.constant 0 : index
    %get3A_9 = vector.load %arg5[%get3A_7, %get3A_8] : memref<1x4096xf32, #tpu.memory_space<vmem>>, vector<1x4096xf32>
    %get3A_10 = arith.constant 0 : index
    %get3A_11 = arith.constant 0 : index
    %get3A_12 = vector.load %arg6[%get3A_10, %get3A_11] : memref<1x4096xf32, #tpu.memory_space<vmem>>, vector<1x4096xf32>
    %get3A_13 = arith.constant 0 : index
    %get3A_14 = arith.constant 0 : index
    %get3A_15 = vector.load %arg7[%get3A_13, %get3A_14] : memref<1x4096xf32, #tpu.memory_space<vmem>>, vector<1x4096xf32>
    %get3A_16 = arith.constant 0 : index
    %get3A_17 = arith.constant 0 : index
    %get3A_18 = vector.load %arg8[%get3A_16, %get3A_17] : memref<1x4096xf32, #tpu.memory_space<vmem>>, vector<1x4096xf32>
    %add3A = arith.addf %get3A_9, %get3A_15 : vector<1x4096xf32>
    %add3A_19 = vector.broadcast %get3A_0 : f32 to vector<1x4096xf32>
    %add3A_20 = arith.addf %add3A, %add3A_19 : vector<1x4096xf32>
    %add3A_21 = arith.addf %get3A_12, %get3A_18 : vector<1x4096xf32>
    %add3A_22 = vector.broadcast %get3A_2 : f32 to vector<1x4096xf32>
    %add3A_23 = arith.addf %add3A_21, %add3A_22 : vector<1x4096xf32>
    %get3A_24 = arith.constant 0 : index
    %get3A_25 = arith.constant 0 : index
    %get3A_26 = vector.load %arg9[%get3A_24, %get3A_25] : memref<1x4096xi32, #tpu.memory_space<vmem>>, vector<1x4096xi32>
    %eq3A = arith.constant 0 : i32
    %eq3A_27 = vector.broadcast %eq3A : i32 to vector<1x4096xi32>
    %eq3A_28 = arith.cmpi eq, %get3A_26, %eq3A_27 : vector<1x4096xi32>
    %select_n3A = arith.select %eq3A_28, %add3A_20, %add3A_23 : vector<1x4096xi1>, vector<1x4096xf32>
    %broadcast_in_dim3A = vector.broadcast %get3A_4 : f32 to vector<1x4096xf32>
    %broadcast_in_dim3A_29 = vector.broadcast %get3A_6 : f32 to vector<1x4096xf32>
    %select_n3A_30 = arith.select %eq3A_28, %broadcast_in_dim3A, %broadcast_in_dim3A_29 : vector<1x4096xi1>, vector<1x4096xf32>
    %div3A = arith.divf %select_n3A, %select_n3A_30 : vector<1x4096xf32>
    %exp3A = math.exp %div3A : vector<1x4096xf32>
    %log1p3A = math.log1p %exp3A : vector<1x4096xf32>
    %mul3A = arith.mulf %select_n3A_30, %log1p3A : vector<1x4096xf32>
    %swap3A = arith.constant 0 : index
    %swap3A_31 = arith.constant 0 : index
    %swap3A_32 = vector.load %arg11[%swap3A, %swap3A_31] : memref<1x4096xf32, #tpu.memory_space<vmem>>, vector<1x4096xf32>
    tpu.vector_store %arg11[%swap3A, %swap3A_31], %mul3A {strides = array<i32>} : memref<1x4096xf32, #tpu.memory_space<vmem>>, vector<1x4096xf32>,
    %broadcast_in_dim3A_33 = arith.constant 0.000000e+00 : f32
    %broadcast_in_dim3A_34 = vector.broadcast %broadcast_in_dim3A_33 : f32 to vector<1x4096xf32>
    %get3A_35 = arith.constant 0 : index
    %get3A_36 = arith.constant 0 : index
    %get3A_37 = vector.load %arg3[%get3A_35, %get3A_36] : memref<1x81920xf32, #tpu.memory_space<vmem>>, vector<1x4096xf32>
    %add3A_38 = arith.addf %get3A_9, %get3A_37 : vector<1x4096xf32>
    %add3A_39 = vector.broadcast %get3A_0 : f32 to vector<1x4096xf32>
    %add3A_40 = arith.addf %add3A_38, %add3A_39 : vector<1x4096xf32>
    %div3A_41 = vector.broadcast %get3A_4 : f32 to vector<1x4096xf32>
    %div3A_42 = arith.divf %add3A_40, %div3A_41 : vector<1x4096xf32>
    %exp3A_43 = math.exp %div3A_42 : vector<1x4096xf32>
    %log1p3A_44 = math.log1p %exp3A_43 : vector<1x4096xf32>
    %mul3A_45 = vector.broadcast %get3A_4 : f32 to vector<1x4096xf32>
    %mul3A_46 = arith.mulf %mul3A_45, %log1p3A_44 : vector<1x4096xf32>
    %get3A_47 = arith.constant 0 : index
    %get3A_48 = arith.constant 0 : index
    %get3A_49 = vector.load %arg4[%get3A_47, %get3A_48] : memref<1x81920xf32, #tpu.memory_space<vmem>>, vector<1x4096xf32>
    %add3A_50 = arith.addf %get3A_12, %get3A_49 : vector<1x4096xf32>
    %add3A_51 = vector.broadcast %get3A_2 : f32 to vector<1x4096xf32>
    %add3A_52 = arith.addf %add3A_50, %add3A_51 : vector<1x4096xf32>
    %div3A_53 = vector.broadcast %get3A_6 : f32 to vector<1x4096xf32>
    %div3A_54 = arith.divf %add3A_52, %div3A_53 : vector<1x4096xf32>
    %exp3A_55 = math.exp %div3A_54 : vector<1x4096xf32>
    %log1p3A_56 = math.log1p %exp3A_55 : vector<1x4096xf32>
    %mul3A_57 = vector.broadcast %get3A_6 : f32 to vector<1x4096xf32>
    %mul3A_58 = arith.mulf %mul3A_57, %log1p3A_56 : vector<1x4096xf32>
    %add3A_59 = arith.addf %mul3A_46, %mul3A_58 : vector<1x4096xf32>
    %get3A_60 = arith.constant 0 : index
    %get3A_61 = arith.constant 0 : index
    %get3A_62 = vector.load %arg1[%get3A_60, %get3A_61] : memref<1x81920xf32, #tpu.memory_space<vmem>>, vector<1x4096xf32>
    %add3A_63 = arith.addf %get3A_62, %get3A_15 : vector<1x4096xf32>
    %add3A_64 = vector.broadcast %get3A_0 : f32 to vector<1x4096xf32>
    %add3A_65 = arith.addf %add3A_63, %add3A_64 : vector<1x4096xf32>
    %div3A_66 = vector.broadcast %get3A_4 : f32 to vector<1x4096xf32>
    %div3A_67 = arith.divf %add3A_65, %div3A_66 : vector<1x4096xf32>
    %exp3A_68 = math.exp %div3A_67 : vector<1x4096xf32>
    %log1p3A_69 = math.log1p %exp3A_68 : vector<1x4096xf32>
    %mul3A_70 = vector.broadcast %get3A_4 : f32 to vector<1x4096xf32>
    %mul3A_71 = arith.mulf %mul3A_70, %log1p3A_69 : vector<1x4096xf32>
    %add3A_72 = arith.addf %add3A_59, %mul3A_71 : vector<1x4096xf32>
    %get3A_73 = arith.constant 0 : index
    %get3A_74 = arith.constant 0 : index
    %get3A_75 = vector.load %arg2[%get3A_73, %get3A_74] : memref<1x81920xf32, #tpu.memory_space<vmem>>, vector<1x4096xf32>
    %add3A_76 = arith.addf %get3A_75, %get3A_18 : vector<1x4096xf32>
    %add3A_77 = vector.broadcast %get3A_2 : f32 to vector<1x4096xf32>
    %add3A_78 = arith.addf %add3A_76, %add3A_77 : vector<1x4096xf32>
    %div3A_79 = vector.broadcast %get3A_6 : f32 to vector<1x4096xf32>
    %div3A_80 = arith.divf %add3A_78, %div3A_79 : vector<1x4096xf32>
    %exp3A_81 = math.exp %div3A_80 : vector<1x4096xf32>
    %log1p3A_82 = math.log1p %exp3A_81 : vector<1x4096xf32>
    %mul3A_83 = vector.broadcast %get3A_6 : f32 to vector<1x4096xf32>
    %mul3A_84 = arith.mulf %mul3A_83, %log1p3A_82 : vector<1x4096xf32>
    %add3A_85 = arith.addf %add3A_72, %mul3A_84 : vector<1x4096xf32>
    %add3A_86 = arith.addf %broadcast_in_dim3A_34, %add3A_85 : vector<1x4096xf32>
    %get3A_87 = arith.constant 0 : index
    %get3A_88 = arith.constant 4096 : index
    %get3A_89 = vector.load %arg3[%get3A_87, %get3A_88] : memref<1x81920xf32, #tpu.memory_space<vmem>>, vector<1x4096xf32>
    %add3A_90 = arith.addf %get3A_9, %get3A_89 : vector<1x4096xf32>
    %add3A_91 = vector.broadcast %get3A_0 : f32 to vector<1x4096xf32>
    %add3A_92 = arith.addf %add3A_90, %add3A_91 : vector<1x4096xf32>
    %div3A_93 = vector.broadcast %get3A_4 : f32 to vector<1x4096xf32>
    %div3A_94 = arith.divf %add3A_92, %div3A_93 : vector<1x4096xf32>
    %exp3A_95 = math.exp %div3A_94 : vector<1x4096xf32>
    %log1p3A_96 = math.log1p %exp3A_95 : vector<1x4096xf32>
    %mul3A_97 = vector.broadcast %get3A_4 : f32 to vector<1x4096xf32>
    %mul3A_98 = arith.mulf %mul3A_97, %log1p3A_96 : vector<1x4096xf32>
    %get3A_99 = arith.constant 0 : index
    %get3A_100 = arith.constant 4096 : index
    %get3A_101 = vector.load %arg4[%get3A_99, %get3A_100] : memref<1x81920xf32, #tpu.memory_space<vmem>>, vector<1x4096xf32>
    %add3A_102 = arith.addf %get3A_12, %get3A_101 : vector<1x4096xf32>
    %add3A_103 = vector.broadcast %get3A_2 : f32 to vector<1x4096xf32>
    %add3A_104 = arith.addf %add3A_102, %add3A_103 : vector<1x4096xf32>
    %div3A_105 = vector.broadcast %get3A_6 : f32 to vector<1x4096xf32>
    %div3A_106 = arith.divf %add3A_104, %div3A_105 : vector<1x4096xf32>
    %exp3A_107 = math.exp %div3A_106 : vector<1x4096xf32>
    %log1p3A_108 = math.log1p %exp3A_107 : vector<1x4096xf32>
    %mul3A_109 = vector.broadcast %get3A_6 : f32 to vector<1x4096xf32>
    %mul3A_110 = arith.mulf %mul3A_109, %log1p3A_108 : vector<1x4096xf32>
    %add3A_111 = arith.addf %mul3A_98, %mul3A_110 : vector<1x4096xf32>
    %get3A_112 = arith.constant 0 : index
    %get3A_113 = arith.constant 4096 : index
    %get3A_114 = vector.load %arg1[%get3A_112, %get3A_113] : memref<1x81920xf32, #tpu.memory_space<vmem>>, vector<1x4096xf32>
    %add3A_115 = arith.addf %get3A_114, %get3A_15 : vector<1x4096xf32>
    %add3A_116 = vector.broadcast %get3A_0 : f32 to vector<1x4096xf32>
    %add3A_117 = arith.addf %add3A_115, %add3A_116 : vector<1x4096xf32>
    %div3A_118 = vector.broadcast %get3A_4 : f32 to vector<1x4096xf32>
    %div3A_119 = arith.divf %add3A_117, %div3A_118 : vector<1x4096xf32>
    %exp3A_120 = math.exp %div3A_119 : vector<1x4096xf32>
    %log1p3A_121 = math.log1p %exp3A_120 : vector<1x4096xf32>
    %mul3A_122 = vector.broadcast %get3A_4 : f32 to vector<1x4096xf32>
    %mul3A_123 = arith.mulf %mul3A_122, %log1p3A_121 : vector<1x4096xf32>
    %add3A_124 = arith.addf %add3A_111, %mul3A_123 : vector<1x4096xf32>
    %get3A_125 = arith.constant 0 : index
    %get3A_126 = arith.constant 4096 : index
    %get3A_127 = vector.load %arg2[%get3A_125, %get3A_126] : memref<1x81920xf32, #tpu.memory_space<vmem>>, vector<1x4096xf32>
    %add3A_128 = arith.addf %get3A_127, %get3A_18 : vector<1x4096xf32>
    %add3A_129 = vector.broadcast %get3A_2 : f32 to vector<1x4096xf32>
    %add3A_130 = arith.addf %add3A_128, %add3A_129 : vector<1x4096xf32>
    %div3A_131 = vector.broadcast %get3A_6 : f32 to vector<1x4096xf32>
    %div3A_132 = arith.divf %add3A_130, %div3A_131 : vector<1x4096xf32>
    %exp3A_133 = math.exp %div3A_132 : vector<1x4096xf32>
    %log1p3A_134 = math.log1p %exp3A_133 : vector<1x4096xf32>
    %mul3A_135 = vector.broadcast %get3A_6 : f32 to vector<1x4096xf32>
    %mul3A_136 = arith.mulf %mul3A_135, %log1p3A_134 : vector<1x4096xf32>
    %add3A_137 = arith.addf %add3A_124, %mul3A_136 : vector<1x4096xf32>
    %add3A_138 = arith.addf %add3A_86, %add3A_137 : vector<1x4096xf32>
    %get3A_139 = arith.constant 0 : index
    %get3A_140 = arith.constant 8192 : index
    %get3A_141 = vector.load %arg3[%get3A_139, %get3A_140] : memref<1x81920xf32, #tpu.memory_space<vmem>>, vector<1x4096xf32>
    %add3A_142 = arith.addf %get3A_9, %get3A_141 : vector<1x4096xf32>
    %add3A_143 = vector.broadcast %get3A_0 : f32 to vector<1x4096xf32>
    %add3A_144 = arith.addf %add3A_142, %add3A_143 : vector<1x4096xf32>
    %div3A_145 = vector.broadcast %get3A_4 : f32 to vector<1x4096xf32>
    %div3A_146 = arith.divf %add3A_144, %div3A_145 : vector<1x4096xf32>
    %exp3A_147 = math.exp %div3A_146 : vector<1x4096xf32>
    %log1p3A_148 = math.log1p %exp3A_147 : vector<1x4096xf32>
    %mul3A_149 = vector.broadcast %get3A_4 : f32 to vector<1x4096xf32>
    %mul3A_150 = arith.mulf %mul3A_149, %log1p3A_148 : vector<1x4096xf32>
    %get3A_151 = arith.constant 0 : index
    %get3A_152 = arith.constant 8192 : index
    %get3A_153 = vector.load %arg4[%get3A_151, %get3A_152] : memref<1x81920xf32, #tpu.memory_space<vmem>>, vector<1x4096xf32>
    %add3A_154 = arith.addf %get3A_12, %get3A_153 : vector<1x4096xf32>
    %add3A_155 = vector.broadcast %get3A_2 : f32 to vector<1x4096xf32>
    %add3A_156 = arith.addf %add3A_154, %add3A_155 : vector<1x4096xf32>
    %div3A_157 = vector.broadcast %get3A_6 : f32 to vector<1x4096xf32>
    %div3A_158 = arith.divf %add3A_156, %div3A_157 : vector<1x4096xf32>
    %exp3A_159 = math.exp %div3A_158 : vector<1x4096xf32>
    %log1p3A_160 = math.log1p %exp3A_159 : vector<1x4096xf32>
    %mul3A_161 = vector.broadcast %get3A_6 : f32 to vector<1x4096xf32>
    %mul3A_162 = arith.mulf %mul3A_161, %log1p3A_160 : vector<1x4096xf32>
    %add3A_163 = arith.addf %mul3A_150, %mul3A_162 : vector<1x4096xf32>
    %get3A_164 = arith.constant 0 : index
    %get3A_165 = arith.constant 8192 : index
    %get3A_166 = vector.load %arg1[%get3A_164, %get3A_165] : memref<1x81920xf32, #tpu.memory_space<vmem>>, vector<1x4096xf32>
    %add3A_167 = arith.addf %get3A_166, %get3A_15 : vector<1x4096xf32>
    %add3A_168 = vector.broadcast %get3A_0 : f32 to vector<1x4096xf32>
    %add3A_169 = arith.addf %add3A_167, %add3A_168 : vector<1x4096xf32>
    %div3A_170 = vector.broadcast %get3A_4 : f32 to vector<1x4096xf32>
    %div3A_171 = arith.divf %add3A_169, %div3A_170 : vector<1x4096xf32>
    %exp3A_172 = math.exp %div3A_171 : vector<1x4096xf32>
    %log1p3A_173 = math.log1p %exp3A_172 : vector<1x4096xf32>
    %mul3A_174 = vector.broadcast %get3A_4 : f32 to vector<1x4096xf32>
    %mul3A_175 = arith.mulf %mul3A_174, %log1p3A_173 : vector<1x4096xf32>
    %add3A_176 = arith.addf %add3A_163, %mul3A_175 : vector<1x4096xf32>
    %get3A_177 = arith.constant 0 : index
    %get3A_178 = arith.constant 8192 : index
    %get3A_179 = vector.load %arg2[%get3A_177, %get3A_178] : memref<1x81920xf32, #tpu.memory_space<vmem>>, vector<1x4096xf32>
    %add3A_180 = arith.addf %get3A_179, %get3A_18 : vector<1x4096xf32>
    %add3A_181 = vector.broadcast %get3A_2 : f32 to vector<1x4096xf32>
    %add3A_182 = arith.addf %add3A_180, %add3A_181 : vector<1x4096xf32>
    %div3A_183 = vector.broadcast %get3A_6 : f32 to vector<1x4096xf32>
    %div3A_184 = arith.divf %add3A_182, %div3A_183 : vector<1x4096xf32>
    %exp3A_185 = math.exp %div3A_184 : vector<1x4096xf32>
    %log1p3A_186 = math.log1p %exp3A_185 : vector<1x4096xf32>
    %mul3A_187 = vector.broadcast %get3A_6 : f32 to vector<1x4096xf32>
    %mul3A_188 = arith.mulf %mul3A_187, %log1p3A_186 : vector<1x4096xf32>
    %add3A_189 = arith.addf %add3A_176, %mul3A_188 : vector<1x4096xf32>
    %add3A_190 = arith.addf %add3A_138, %add3A_189 : vector<1x4096xf32>
    %get3A_191 = arith.constant 0 : index
    %get3A_192 = arith.constant 12288 : index
    %get3A_193 = vector.load %arg3[%get3A_191, %get3A_192] : memref<1x81920xf32, #tpu.memory_space<vmem>>, vector<1x4096xf32>
    %add3A_194 = arith.addf %get3A_9, %get3A_193 : vector<1x4096xf32>
    %add3A_195 = vector.broadcast %get3A_0 : f32 to vector<1x4096xf32>
    %add3A_196 = arith.addf %add3A_194, %add3A_195 : vector<1x4096xf32>
    %div3A_197 = vector.broadcast %get3A_4 : f32 to vector<1x4096xf32>
    %div3A_198 = arith.divf %add3A_196, %div3A_197 : vector<1x4096xf32>
    %exp3A_199 = math.exp %div3A_198 : vector<1x4096xf32>
    %log1p3A_200 = math.log1p %exp3A_199 : vector<1x4096xf32>
    %mul3A_201 = vector.broadcast %get3A_4 : f32 to vector<1x4096xf32>
    %mul3A_202 = arith.mulf %mul3A_201, %log1p3A_200 : vector<1x4096xf32>
    %get3A_203 = arith.constant 0 : index
    %get3A_204 = arith.constant 12288 : index
    %get3A_205 = vector.load %arg4[%get3A_203, %get3A_204] : memref<1x81920xf32, #tpu.memory_space<vmem>>, vector<1x4096xf32>
    %add3A_206 = arith.addf %get3A_12, %get3A_205 : vector<1x4096xf32>
    %add3A_207 = vector.broadcast %get3A_2 : f32 to vector<1x4096xf32>
    %add3A_208 = arith.addf %add3A_206, %add3A_207 : vector<1x4096xf32>
    %div3A_209 = vector.broadcast %get3A_6 : f32 to vector<1x4096xf32>
    %div3A_210 = arith.divf %add3A_208, %div3A_209 : vector<1x4096xf32>
    %exp3A_211 = math.exp %div3A_210 : vector<1x4096xf32>
    %log1p3A_212 = math.log1p %exp3A_211 : vector<1x4096xf32>
    %mul3A_213 = vector.broadcast %get3A_6 : f32 to vector<1x4096xf32>
    %mul3A_214 = arith.mulf %mul3A_213, %log1p3A_212 : vector<1x4096xf32>
    %add3A_215 = arith.addf %mul3A_202, %mul3A_214 : vector<1x4096xf32>
    %get3A_216 = arith.constant 0 : index
    %get3A_217 = arith.constant 12288 : index
    %get3A_218 = vector.load %arg1[%get3A_216, %get3A_217] : memref<1x81920xf32, #tpu.memory_space<vmem>>, vector<1x4096xf32>
    %add3A_219 = arith.addf %get3A_218, %get3A_15 : vector<1x4096xf32>
    %add3A_220 = vector.broadcast %get3A_0 : f32 to vector<1x4096xf32>
    %add3A_221 = arith.addf %add3A_219, %add3A_220 : vector<1x4096xf32>
    %div3A_222 = vector.broadcast %get3A_4 : f32 to vector<1x4096xf32>
    %div3A_223 = arith.divf %add3A_221, %div3A_222 : vector<1x4096xf32>
    %exp3A_224 = math.exp %div3A_223 : vector<1x4096xf32>
    %log1p3A_225 = math.log1p %exp3A_224 : vector<1x4096xf32>
    %mul3A_226 = vector.broadcast %get3A_4 : f32 to vector<1x4096xf32>
    %mul3A_227 = arith.mulf %mul3A_226, %log1p3A_225 : vector<1x4096xf32>
    %add3A_228 = arith.addf %add3A_215, %mul3A_227 : vector<1x4096xf32>
    %get3A_229 = arith.constant 0 : index
    %get3A_230 = arith.constant 12288 : index
    %get3A_231 = vector.load %arg2[%get3A_229, %get3A_230] : memref<1x81920xf32, #tpu.memory_space<vmem>>, vector<1x4096xf32>
    %add3A_232 = arith.addf %get3A_231, %get3A_18 : vector<1x4096xf32>
    %add3A_233 = vector.broadcast %get3A_2 : f32 to vector<1x4096xf32>
    %add3A_234 = arith.addf %add3A_232, %add3A_233 : vector<1x4096xf32>
    %div3A_235 = vector.broadcast %get3A_6 : f32 to vector<1x4096xf32>
    %div3A_236 = arith.divf %add3A_234, %div3A_235 : vector<1x4096xf32>
    %exp3A_237 = math.exp %div3A_236 : vector<1x4096xf32>
    %log1p3A_238 = math.log1p %exp3A_237 : vector<1x4096xf32>
    %mul3A_239 = vector.broadcast %get3A_6 : f32 to vector<1x4096xf32>
    %mul3A_240 = arith.mulf %mul3A_239, %log1p3A_238 : vector<1x4096xf32>
    %add3A_241 = arith.addf %add3A_228, %mul3A_240 : vector<1x4096xf32>
    %add3A_242 = arith.addf %add3A_190, %add3A_241 : vector<1x4096xf32>
    %get3A_243 = arith.constant 0 : index
    %get3A_244 = arith.constant 16384 : index
    %get3A_245 = vector.load %arg3[%get3A_243, %get3A_244] : memref<1x81920xf32, #tpu.memory_space<vmem>>, vector<1x4096xf32>
    %add3A_246 = arith.addf %get3A_9, %get3A_245 : vector<1x4096xf32>
    %add3A_247 = vector.broadcast %get3A_0 : f32 to vector<1x4096xf32>
    %add3A_248 = arith.addf %add3A_246, %add3A_247 : vector<1x4096xf32>
    %div3A_249 = vector.broadcast %get3A_4 : f32 to vector<1x4096xf32>
    %div3A_250 = arith.divf %add3A_248, %div3A_249 : vector<1x4096xf32>
    %exp3A_251 = math.exp %div3A_250 : vector<1x4096xf32>
    %log1p3A_252 = math.log1p %exp3A_251 : vector<1x4096xf32>
    %mul3A_253 = vector.broadcast %get3A_4 : f32 to vector<1x4096xf32>
    %mul3A_254 = arith.mulf %mul3A_253, %log1p3A_252 : vector<1x4096xf32>
    %get3A_255 = arith.constant 0 : index
    %get3A_256 = arith.constant 16384 : index
    %get3A_257 = vector.load %arg4[%get3A_255, %get3A_256] : memref<1x81920xf32, #tpu.memory_space<vmem>>, vector<1x4096xf32>
    %add3A_258 = arith.addf %get3A_12, %get3A_257 : vector<1x4096xf32>
    %add3A_259 = vector.broadcast %get3A_2 : f32 to vector<1x4096xf32>
    %add3A_260 = arith.addf %add3A_258, %add3A_259 : vector<1x4096xf32>
    %div3A_261 = vector.broadcast %get3A_6 : f32 to vector<1x4096xf32>
    %div3A_262 = arith.divf %add3A_260, %div3A_261 : vector<1x4096xf32>
    %exp3A_263 = math.exp %div3A_262 : vector<1x4096xf32>
    %log1p3A_264 = math.log1p %exp3A_263 : vector<1x4096xf32>
    %mul3A_265 = vector.broadcast %get3A_6 : f32 to vector<1x4096xf32>
    %mul3A_266 = arith.mulf %mul3A_265, %log1p3A_264 : vector<1x4096xf32>
    %add3A_267 = arith.addf %mul3A_254, %mul3A_266 : vector<1x4096xf32>
    %get3A_268 = arith.constant 0 : index
    %get3A_269 = arith.constant 16384 : index
    %get3A_270 = vector.load %arg1[%get3A_268, %get3A_269] : memref<1x81920xf32, #tpu.memory_space<vmem>>, vector<1x4096xf32>
    %add3A_271 = arith.addf %get3A_270, %get3A_15 : vector<1x4096xf32>
    %add3A_272 = vector.broadcast %get3A_0 : f32 to vector<1x4096xf32>
    %add3A_273 = arith.addf %add3A_271, %add3A_272 : vector<1x4096xf32>
    %div3A_274 = vector.broadcast %get3A_4 : f32 to vector<1x4096xf32>
    %div3A_275 = arith.divf %add3A_273, %div3A_274 : vector<1x4096xf32>
    %exp3A_276 = math.exp %div3A_275 : vector<1x4096xf32>
    %log1p3A_277 = math.log1p %exp3A_276 : vector<1x4096xf32>
    %mul3A_278 = vector.broadcast %get3A_4 : f32 to vector<1x4096xf32>
    %mul3A_279 = arith.mulf %mul3A_278, %log1p3A_277 : vector<1x4096xf32>
    %add3A_280 = arith.addf %add3A_267, %mul3A_279 : vector<1x4096xf32>
    %get3A_281 = arith.constant 0 : index
    %get3A_282 = arith.constant 16384 : index
    %get3A_283 = vector.load %arg2[%get3A_281, %get3A_282] : memref<1x81920xf32, #tpu.memory_space<vmem>>, vector<1x4096xf32>
    %add3A_284 = arith.addf %get3A_283, %get3A_18 : vector<1x4096xf32>
    %add3A_285 = vector.broadcast %get3A_2 : f32 to vector<1x4096xf32>
    %add3A_286 = arith.addf %add3A_284, %add3A_285 : vector<1x4096xf32>
    %div3A_287 = vector.broadcast %get3A_6 : f32 to vector<1x4096xf32>
    %div3A_288 = arith.divf %add3A_286, %div3A_287 : vector<1x4096xf32>
    %exp3A_289 = math.exp %div3A_288 : vector<1x4096xf32>
    %log1p3A_290 = math.log1p %exp3A_289 : vector<1x4096xf32>
    %mul3A_291 = vector.broadcast %get3A_6 : f32 to vector<1x4096xf32>
    %mul3A_292 = arith.mulf %mul3A_291, %log1p3A_290 : vector<1x4096xf32>
    %add3A_293 = arith.addf %add3A_280, %mul3A_292 : vector<1x4096xf32>
    %add3A_294 = arith.addf %add3A_242, %add3A_293 : vector<1x4096xf32>
    %get3A_295 = arith.constant 0 : index
    %get3A_296 = arith.constant 20480 : index
    %get3A_297 = vector.load %arg3[%get3A_295, %get3A_296] : memref<1x81920xf32, #tpu.memory_space<vmem>>, vector<1x4096xf32>
    %add3A_298 = arith.addf %get3A_9, %get3A_297 : vector<1x4096xf32>
    %add3A_299 = vector.broadcast %get3A_0 : f32 to vector<1x4096xf32>
    %add3A_300 = arith.addf %add3A_298, %add3A_299 : vector<1x4096xf32>
    %div3A_301 = vector.broadcast %get3A_4 : f32 to vector<1x4096xf32>
    %div3A_302 = arith.divf %add3A_300, %div3A_301 : vector<1x4096xf32>
    %exp3A_303 = math.exp %div3A_302 : vector<1x4096xf32>
    %log1p3A_304 = math.log1p %exp3A_303 : vector<1x4096xf32>
    %mul3A_305 = vector.broadcast %get3A_4 : f32 to vector<1x4096xf32>
    %mul3A_306 = arith.mulf %mul3A_305, %log1p3A_304 : vector<1x4096xf32>
    %get3A_307 = arith.constant 0 : index
    %get3A_308 = arith.constant 20480 : index
    %get3A_309 = vector.load %arg4[%get3A_307, %get3A_308] : memref<1x81920xf32, #tpu.memory_space<vmem>>, vector<1x4096xf32>
    %add3A_310 = arith.addf %get3A_12, %get3A_309 : vector<1x4096xf32>
    %add3A_311 = vector.broadcast %get3A_2 : f32 to vector<1x4096xf32>
    %add3A_312 = arith.addf %add3A_310, %add3A_311 : vector<1x4096xf32>
    %div3A_313 = vector.broadcast %get3A_6 : f32 to vector<1x4096xf32>
    %div3A_314 = arith.divf %add3A_312, %div3A_313 : vector<1x4096xf32>
    %exp3A_315 = math.exp %div3A_314 : vector<1x4096xf32>
    %log1p3A_316 = math.log1p %exp3A_315 : vector<1x4096xf32>
    %mul3A_317 = vector.broadcast %get3A_6 : f32 to vector<1x4096xf32>
    %mul3A_318 = arith.mulf %mul3A_317, %log1p3A_316 : vector<1x4096xf32>
    %add3A_319 = arith.addf %mul3A_306, %mul3A_318 : vector<1x4096xf32>
    %get3A_320 = arith.constant 0 : index
    %get3A_321 = arith.constant 20480 : index
    %get3A_322 = vector.load %arg1[%get3A_320, %get3A_321] : memref<1x81920xf32, #tpu.memory_space<vmem>>, vector<1x4096xf32>
    %add3A_323 = arith.addf %get3A_322, %get3A_15 : vector<1x4096xf32>
    %add3A_324 = vector.broadcast %get3A_0 : f32 to vector<1x4096xf32>
    %add3A_325 = arith.addf %add3A_323, %add3A_324 : vector<1x4096xf32>
    %div3A_326 = vector.broadcast %get3A_4 : f32 to vector<1x4096xf32>
    %div3A_327 = arith.divf %add3A_325, %div3A_326 : vector<1x4096xf32>
    %exp3A_328 = math.exp %div3A_327 : vector<1x4096xf32>
    %log1p3A_329 = math.log1p %exp3A_328 : vector<1x4096xf32>
    %mul3A_330 = vector.broadcast %get3A_4 : f32 to vector<1x4096xf32>
    %mul3A_331 = arith.mulf %mul3A_330, %log1p3A_329 : vector<1x4096xf32>
    %add3A_332 = arith.addf %add3A_319, %mul3A_331 : vector<1x4096xf32>
    %get3A_333 = arith.constant 0 : index
    %get3A_334 = arith.constant 20480 : index
    %get3A_335 = vector.load %arg2[%get3A_333, %get3A_334] : memref<1x81920xf32, #tpu.memory_space<vmem>>, vector<1x4096xf32>
    %add3A_336 = arith.addf %get3A_335, %get3A_18 : vector<1x4096xf32>
    %add3A_337 = vector.broadcast %get3A_2 : f32 to vector<1x4096xf32>
    %add3A_338 = arith.addf %add3A_336, %add3A_337 : vector<1x4096xf32>
    %div3A_339 = vector.broadcast %get3A_6 : f32 to vector<1x4096xf32>
    %div3A_340 = arith.divf %add3A_338, %div3A_339 : vector<1x4096xf32>
    %exp3A_341 = math.exp %div3A_340 : vector<1x4096xf32>
    %log1p3A_342 = math.log1p %exp3A_341 : vector<1x4096xf32>
    %mul3A_343 = vector.broadcast %get3A_6 : f32 to vector<1x4096xf32>
    %mul3A_344 = arith.mulf %mul3A_343, %log1p3A_342 : vector<1x4096xf32>
    %add3A_345 = arith.addf %add3A_332, %mul3A_344 : vector<1x4096xf32>
    %add3A_346 = arith.addf %add3A_294, %add3A_345 : vector<1x4096xf32>
    %get3A_347 = arith.constant 0 : index
    %get3A_348 = arith.constant 24576 : index
    %get3A_349 = vector.load %arg3[%get3A_347, %get3A_348] : memref<1x81920xf32, #tpu.memory_space<vmem>>, vector<1x4096xf32>
    %add3A_350 = arith.addf %get3A_9, %get3A_349 : vector<1x4096xf32>
    %add3A_351 = vector.broadcast %get3A_0 : f32 to vector<1x4096xf32>
    %add3A_352 = arith.addf %add3A_350, %add3A_351 : vector<1x4096xf32>
    %div3A_353 = vector.broadcast %get3A_4 : f32 to vector<1x4096xf32>
    %div3A_354 = arith.divf %add3A_352, %div3A_353 : vector<1x4096xf32>
    %exp3A_355 = math.exp %div3A_354 : vector<1x4096xf32>
    %log1p3A_356 = math.log1p %exp3A_355 : vector<1x4096xf32>
    %mul3A_357 = vector.broadcast %get3A_4 : f32 to vector<1x4096xf32>
    %mul3A_358 = arith.mulf %mul3A_357, %log1p3A_356 : vector<1x4096xf32>
    %get3A_359 = arith.constant 0 : index
    %get3A_360 = arith.constant 24576 : index
    %get3A_361 = vector.load %arg4[%get3A_359, %get3A_360] : memref<1x81920xf32, #tpu.memory_space<vmem>>, vector<1x4096xf32>
    %add3A_362 = arith.addf %get3A_12, %get3A_361 : vector<1x4096xf32>
    %add3A_363 = vector.broadcast %get3A_2 : f32 to vector<1x4096xf32>
    %add3A_364 = arith.addf %add3A_362, %add3A_363 : vector<1x4096xf32>
    %div3A_365 = vector.broadcast %get3A_6 : f32 to vector<1x4096xf32>
    %div3A_366 = arith.divf %add3A_364, %div3A_365 : vector<1x4096xf32>
    %exp3A_367 = math.exp %div3A_366 : vector<1x4096xf32>
    %log1p3A_368 = math.log1p %exp3A_367 : vector<1x4096xf32>
    %mul3A_369 = vector.broadcast %get3A_6 : f32 to vector<1x4096xf32>
    %mul3A_370 = arith.mulf %mul3A_369, %log1p3A_368 : vector<1x4096xf32>
    %add3A_371 = arith.addf %mul3A_358, %mul3A_370 : vector<1x4096xf32>
    %get3A_372 = arith.constant 0 : index
    %get3A_373 = arith.constant 24576 : index
    %get3A_374 = vector.load %arg1[%get3A_372, %get3A_373] : memref<1x81920xf32, #tpu.memory_space<vmem>>, vector<1x4096xf32>
    %add3A_375 = arith.addf %get3A_374, %get3A_15 : vector<1x4096xf32>
    %add3A_376 = vector.broadcast %get3A_0 : f32 to vector<1x4096xf32>
    %add3A_377 = arith.addf %add3A_375, %add3A_376 : vector<1x4096xf32>
    %div3A_378 = vector.broadcast %get3A_4 : f32 to vector<1x4096xf32>
    %div3A_379 = arith.divf %add3A_377, %div3A_378 : vector<1x4096xf32>
    %exp3A_380 = math.exp %div3A_379 : vector<1x4096xf32>
    %log1p3A_381 = math.log1p %exp3A_380 : vector<1x4096xf32>
    %mul3A_382 = vector.broadcast %get3A_4 : f32 to vector<1x4096xf32>
    %mul3A_383 = arith.mulf %mul3A_382, %log1p3A_381 : vector<1x4096xf32>
    %add3A_384 = arith.addf %add3A_371, %mul3A_383 : vector<1x4096xf32>
    %get3A_385 = arith.constant 0 : index
    %get3A_386 = arith.constant 24576 : index
    %get3A_387 = vector.load %arg2[%get3A_385, %get3A_386] : memref<1x81920xf32, #tpu.memory_space<vmem>>, vector<1x4096xf32>
    %add3A_388 = arith.addf %get3A_387, %get3A_18 : vector<1x4096xf32>
    %add3A_389 = vector.broadcast %get3A_2 : f32 to vector<1x4096xf32>
    %add3A_390 = arith.addf %add3A_388, %add3A_389 : vector<1x4096xf32>
    %div3A_391 = vector.broadcast %get3A_6 : f32 to vector<1x4096xf32>
    %div3A_392 = arith.divf %add3A_390, %div3A_391 : vector<1x4096xf32>
    %exp3A_393 = math.exp %div3A_392 : vector<1x4096xf32>
    %log1p3A_394 = math.log1p %exp3A_393 : vector<1x4096xf32>
    %mul3A_395 = vector.broadcast %get3A_6 : f32 to vector<1x4096xf32>
    %mul3A_396 = arith.mulf %mul3A_395, %log1p3A_394 : vector<1x4096xf32>
    %add3A_397 = arith.addf %add3A_384, %mul3A_396 : vector<1x4096xf32>
    %add3A_398 = arith.addf %add3A_346, %add3A_397 : vector<1x4096xf32>
    %get3A_399 = arith.constant 0 : index
    %get3A_400 = arith.constant 28672 : index
    %get3A_401 = vector.load %arg3[%get3A_399, %get3A_400] : memref<1x81920xf32, #tpu.memory_space<vmem>>, vector<1x4096xf32>
    %add3A_402 = arith.addf %get3A_9, %get3A_401 : vector<1x4096xf32>
    %add3A_403 = vector.broadcast %get3A_0 : f32 to vector<1x4096xf32>
    %add3A_404 = arith.addf %add3A_402, %add3A_403 : vector<1x4096xf32>
    %div3A_405 = vector.broadcast %get3A_4 : f32 to vector<1x4096xf32>
    %div3A_406 = arith.divf %add3A_404, %div3A_405 : vector<1x4096xf32>
    %exp3A_407 = math.exp %div3A_406 : vector<1x4096xf32>
    %log1p3A_408 = math.log1p %exp3A_407 : vector<1x4096xf32>
    %mul3A_409 = vector.broadcast %get3A_4 : f32 to vector<1x4096xf32>
    %mul3A_410 = arith.mulf %mul3A_409, %log1p3A_408 : vector<1x4096xf32>
    %get3A_411 = arith.constant 0 : index
    %get3A_412 = arith.constant 28672 : index
    %get3A_413 = vector.load %arg4[%get3A_411, %get3A_412] : memref<1x81920xf32, #tpu.memory_space<vmem>>, vector<1x4096xf32>
    %add3A_414 = arith.addf %get3A_12, %get3A_413 : vector<1x4096xf32>
    %add3A_415 = vector.broadcast %get3A_2 : f32 to vector<1x4096xf32>
    %add3A_416 = arith.addf %add3A_414, %add3A_415 : vector<1x4096xf32>
    %div3A_417 = vector.broadcast %get3A_6 : f32 to vector<1x4096xf32>
    %div3A_418 = arith.divf %add3A_416, %div3A_417 : vector<1x4096xf32>
    %exp3A_419 = math.exp %div3A_418 : vector<1x4096xf32>
    %log1p3A_420 = math.log1p %exp3A_419 : vector<1x4096xf32>
    %mul3A_421 = vector.broadcast %get3A_6 : f32 to vector<1x4096xf32>
    %mul3A_422 = arith.mulf %mul3A_421, %log1p3A_420 : vector<1x4096xf32>
    %add3A_423 = arith.addf %mul3A_410, %mul3A_422 : vector<1x4096xf32>
    %get3A_424 = arith.constant 0 : index
    %get3A_425 = arith.constant 28672 : index
    %get3A_426 = vector.load %arg1[%get3A_424, %get3A_425] : memref<1x81920xf32, #tpu.memory_space<vmem>>, vector<1x4096xf32>
    %add3A_427 = arith.addf %get3A_426, %get3A_15 : vector<1x4096xf32>
    %add3A_428 = vector.broadcast %get3A_0 : f32 to vector<1x4096xf32>
    %add3A_429 = arith.addf %add3A_427, %add3A_428 : vector<1x4096xf32>
    %div3A_430 = vector.broadcast %get3A_4 : f32 to vector<1x4096xf32>
    %div3A_431 = arith.divf %add3A_429, %div3A_430 : vector<1x4096xf32>
    %exp3A_432 = math.exp %div3A_431 : vector<1x4096xf32>
    %log1p3A_433 = math.log1p %exp3A_432 : vector<1x4096xf32>
    %mul3A_434 = vector.broadcast %get3A_4 : f32 to vector<1x4096xf32>
    %mul3A_435 = arith.mulf %mul3A_434, %log1p3A_433 : vector<1x4096xf32>
    %add3A_436 = arith.addf %add3A_423, %mul3A_435 : vector<1x4096xf32>
    %get3A_437 = arith.constant 0 : index
    %get3A_438 = arith.constant 28672 : index
    %get3A_439 = vector.load %arg2[%get3A_437, %get3A_438] : memref<1x81920xf32, #tpu.memory_space<vmem>>, vector<1x4096xf32>
    %add3A_440 = arith.addf %get3A_439, %get3A_18 : vector<1x4096xf32>
    %add3A_441 = vector.broadcast %get3A_2 : f32 to vector<1x4096xf32>
    %add3A_442 = arith.addf %add3A_440, %add3A_441 : vector<1x4096xf32>
    %div3A_443 = vector.broadcast %get3A_6 : f32 to vector<1x4096xf32>
    %div3A_444 = arith.divf %add3A_442, %div3A_443 : vector<1x4096xf32>
    %exp3A_445 = math.exp %div3A_444 : vector<1x4096xf32>
    %log1p3A_446 = math.log1p %exp3A_445 : vector<1x4096xf32>
    %mul3A_447 = vector.broadcast %get3A_6 : f32 to vector<1x4096xf32>
    %mul3A_448 = arith.mulf %mul3A_447, %log1p3A_446 : vector<1x4096xf32>
    %add3A_449 = arith.addf %add3A_436, %mul3A_448 : vector<1x4096xf32>
    %add3A_450 = arith.addf %add3A_398, %add3A_449 : vector<1x4096xf32>
    %get3A_451 = arith.constant 0 : index
    %get3A_452 = arith.constant 32768 : index
    %get3A_453 = vector.load %arg3[%get3A_451, %get3A_452] : memref<1x81920xf32, #tpu.memory_space<vmem>>, vector<1x4096xf32>
    %add3A_454 = arith.addf %get3A_9, %get3A_453 : vector<1x4096xf32>
    %add3A_455 = vector.broadcast %get3A_0 : f32 to vector<1x4096xf32>
    %add3A_456 = arith.addf %add3A_454, %add3A_455 : vector<1x4096xf32>
    %div3A_457 = vector.broadcast %get3A_4 : f32 to vector<1x4096xf32>
    %div3A_458 = arith.divf %add3A_456, %div3A_457 : vector<1x4096xf32>
    %exp3A_459 = math.exp %div3A_458 : vector<1x4096xf32>
    %log1p3A_460 = math.log1p %exp3A_459 : vector<1x4096xf32>
    %mul3A_461 = vector.broadcast %get3A_4 : f32 to vector<1x4096xf32>
    %mul3A_462 = arith.mulf %mul3A_461, %log1p3A_460 : vector<1x4096xf32>
    %get3A_463 = arith.constant 0 : index
    %get3A_464 = arith.constant 32768 : index
    %get3A_465 = vector.load %arg4[%get3A_463, %get3A_464] : memref<1x81920xf32, #tpu.memory_space<vmem>>, vector<1x4096xf32>
    %add3A_466 = arith.addf %get3A_12, %get3A_465 : vector<1x4096xf32>
    %add3A_467 = vector.broadcast %get3A_2 : f32 to vector<1x4096xf32>
    %add3A_468 = arith.addf %add3A_466, %add3A_467 : vector<1x4096xf32>
    %div3A_469 = vector.broadcast %get3A_6 : f32 to vector<1x4096xf32>
    %div3A_470 = arith.divf %add3A_468, %div3A_469 : vector<1x4096xf32>
    %exp3A_471 = math.exp %div3A_470 : vector<1x4096xf32>
    %log1p3A_472 = math.log1p %exp3A_471 : vector<1x4096xf32>
    %mul3A_473 = vector.broadcast %get3A_6 : f32 to vector<1x4096xf32>
    %mul3A_474 = arith.mulf %mul3A_473, %log1p3A_472 : vector<1x4096xf32>
    %add3A_475 = arith.addf %mul3A_462, %mul3A_474 : vector<1x4096xf32>
    %get3A_476 = arith.constant 0 : index
    %get3A_477 = arith.constant 32768 : index
    %get3A_478 = vector.load %arg1[%get3A_476, %get3A_477] : memref<1x81920xf32, #tpu.memory_space<vmem>>, vector<1x4096xf32>
    %add3A_479 = arith.addf %get3A_478, %get3A_15 : vector<1x4096xf32>
    %add3A_480 = vector.broadcast %get3A_0 : f32 to vector<1x4096xf32>
    %add3A_481 = arith.addf %add3A_479, %add3A_480 : vector<1x4096xf32>
    %div3A_482 = vector.broadcast %get3A_4 : f32 to vector<1x4096xf32>
    %div3A_483 = arith.divf %add3A_481, %div3A_482 : vector<1x4096xf32>
    %exp3A_484 = math.exp %div3A_483 : vector<1x4096xf32>
    %log1p3A_485 = math.log1p %exp3A_484 : vector<1x4096xf32>
    %mul3A_486 = vector.broadcast %get3A_4 : f32 to vector<1x4096xf32>
    %mul3A_487 = arith.mulf %mul3A_486, %log1p3A_485 : vector<1x4096xf32>
    %add3A_488 = arith.addf %add3A_475, %mul3A_487 : vector<1x4096xf32>
    %get3A_489 = arith.constant 0 : index
    %get3A_490 = arith.constant 32768 : index
    %get3A_491 = vector.load %arg2[%get3A_489, %get3A_490] : memref<1x81920xf32, #tpu.memory_space<vmem>>, vector<1x4096xf32>
    %add3A_492 = arith.addf %get3A_491, %get3A_18 : vector<1x4096xf32>
    %add3A_493 = vector.broadcast %get3A_2 : f32 to vector<1x4096xf32>
    %add3A_494 = arith.addf %add3A_492, %add3A_493 : vector<1x4096xf32>
    %div3A_495 = vector.broadcast %get3A_6 : f32 to vector<1x4096xf32>
    %div3A_496 = arith.divf %add3A_494, %div3A_495 : vector<1x4096xf32>
    %exp3A_497 = math.exp %div3A_496 : vector<1x4096xf32>
    %log1p3A_498 = math.log1p %exp3A_497 : vector<1x4096xf32>
    %mul3A_499 = vector.broadcast %get3A_6 : f32 to vector<1x4096xf32>
    %mul3A_500 = arith.mulf %mul3A_499, %log1p3A_498 : vector<1x4096xf32>
    %add3A_501 = arith.addf %add3A_488, %mul3A_500 : vector<1x4096xf32>
    %add3A_502 = arith.addf %add3A_450, %add3A_501 : vector<1x4096xf32>
    %get3A_503 = arith.constant 0 : index
    %get3A_504 = arith.constant 36864 : index
    %get3A_505 = vector.load %arg3[%get3A_503, %get3A_504] : memref<1x81920xf32, #tpu.memory_space<vmem>>, vector<1x4096xf32>
    %add3A_506 = arith.addf %get3A_9, %get3A_505 : vector<1x4096xf32>
    %add3A_507 = vector.broadcast %get3A_0 : f32 to vector<1x4096xf32>
    %add3A_508 = arith.addf %add3A_506, %add3A_507 : vector<1x4096xf32>
    %div3A_509 = vector.broadcast %get3A_4 : f32 to vector<1x4096xf32>
    %div3A_510 = arith.divf %add3A_508, %div3A_509 : vector<1x4096xf32>
    %exp3A_511 = math.exp %div3A_510 : vector<1x4096xf32>
    %log1p3A_512 = math.log1p %exp3A_511 : vector<1x4096xf32>
    %mul3A_513 = vector.broadcast %get3A_4 : f32 to vector<1x4096xf32>
    %mul3A_514 = arith.mulf %mul3A_513, %log1p3A_512 : vector<1x4096xf32>
    %get3A_515 = arith.constant 0 : index
    %get3A_516 = arith.constant 36864 : index
    %get3A_517 = vector.load %arg4[%get3A_515, %get3A_516] : memref<1x81920xf32, #tpu.memory_space<vmem>>, vector<1x4096xf32>
    %add3A_518 = arith.addf %get3A_12, %get3A_517 : vector<1x4096xf32>
    %add3A_519 = vector.broadcast %get3A_2 : f32 to vector<1x4096xf32>
    %add3A_520 = arith.addf %add3A_518, %add3A_519 : vector<1x4096xf32>
    %div3A_521 = vector.broadcast %get3A_6 : f32 to vector<1x4096xf32>
    %div3A_522 = arith.divf %add3A_520, %div3A_521 : vector<1x4096xf32>
    %exp3A_523 = math.exp %div3A_522 : vector<1x4096xf32>
    %log1p3A_524 = math.log1p %exp3A_523 : vector<1x4096xf32>
    %mul3A_525 = vector.broadcast %get3A_6 : f32 to vector<1x4096xf32>
    %mul3A_526 = arith.mulf %mul3A_525, %log1p3A_524 : vector<1x4096xf32>
    %add3A_527 = arith.addf %mul3A_514, %mul3A_526 : vector<1x4096xf32>
    %get3A_528 = arith.constant 0 : index
    %get3A_529 = arith.constant 36864 : index
    %get3A_530 = vector.load %arg1[%get3A_528, %get3A_529] : memref<1x81920xf32, #tpu.memory_space<vmem>>, vector<1x4096xf32>
    %add3A_531 = arith.addf %get3A_530, %get3A_15 : vector<1x4096xf32>
    %add3A_532 = vector.broadcast %get3A_0 : f32 to vector<1x4096xf32>
    %add3A_533 = arith.addf %add3A_531, %add3A_532 : vector<1x4096xf32>
    %div3A_534 = vector.broadcast %get3A_4 : f32 to vector<1x4096xf32>
    %div3A_535 = arith.divf %add3A_533, %div3A_534 : vector<1x4096xf32>
    %exp3A_536 = math.exp %div3A_535 : vector<1x4096xf32>
    %log1p3A_537 = math.log1p %exp3A_536 : vector<1x4096xf32>
    %mul3A_538 = vector.broadcast %get3A_4 : f32 to vector<1x4096xf32>
    %mul3A_539 = arith.mulf %mul3A_538, %log1p3A_537 : vector<1x4096xf32>
    %add3A_540 = arith.addf %add3A_527, %mul3A_539 : vector<1x4096xf32>
    %get3A_541 = arith.constant 0 : index
    %get3A_542 = arith.constant 36864 : index
    %get3A_543 = vector.load %arg2[%get3A_541, %get3A_542] : memref<1x81920xf32, #tpu.memory_space<vmem>>, vector<1x4096xf32>
    %add3A_544 = arith.addf %get3A_543, %get3A_18 : vector<1x4096xf32>
    %add3A_545 = vector.broadcast %get3A_2 : f32 to vector<1x4096xf32>
    %add3A_546 = arith.addf %add3A_544, %add3A_545 : vector<1x4096xf32>
    %div3A_547 = vector.broadcast %get3A_6 : f32 to vector<1x4096xf32>
    %div3A_548 = arith.divf %add3A_546, %div3A_547 : vector<1x4096xf32>
    %exp3A_549 = math.exp %div3A_548 : vector<1x4096xf32>
    %log1p3A_550 = math.log1p %exp3A_549 : vector<1x4096xf32>
    %mul3A_551 = vector.broadcast %get3A_6 : f32 to vector<1x4096xf32>
    %mul3A_552 = arith.mulf %mul3A_551, %log1p3A_550 : vector<1x4096xf32>
    %add3A_553 = arith.addf %add3A_540, %mul3A_552 : vector<1x4096xf32>
    %add3A_554 = arith.addf %add3A_502, %add3A_553 : vector<1x4096xf32>
    %get3A_555 = arith.constant 0 : index
    %get3A_556 = arith.constant 40960 : index
    %get3A_557 = vector.load %arg3[%get3A_555, %get3A_556] : memref<1x81920xf32, #tpu.memory_space<vmem>>, vector<1x4096xf32>
    %add3A_558 = arith.addf %get3A_9, %get3A_557 : vector<1x4096xf32>
    %add3A_559 = vector.broadcast %get3A_0 : f32 to vector<1x4096xf32>
    %add3A_560 = arith.addf %add3A_558, %add3A_559 : vector<1x4096xf32>
    %div3A_561 = vector.broadcast %get3A_4 : f32 to vector<1x4096xf32>
    %div3A_562 = arith.divf %add3A_560, %div3A_561 : vector<1x4096xf32>
    %exp3A_563 = math.exp %div3A_562 : vector<1x4096xf32>
    %log1p3A_564 = math.log1p %exp3A_563 : vector<1x4096xf32>
    %mul3A_565 = vector.broadcast %get3A_4 : f32 to vector<1x4096xf32>
    %mul3A_566 = arith.mulf %mul3A_565, %log1p3A_564 : vector<1x4096xf32>
    %get3A_567 = arith.constant 0 : index
    %get3A_568 = arith.constant 40960 : index
    %get3A_569 = vector.load %arg4[%get3A_567, %get3A_568] : memref<1x81920xf32, #tpu.memory_space<vmem>>, vector<1x4096xf32>
    %add3A_570 = arith.addf %get3A_12, %get3A_569 : vector<1x4096xf32>
    %add3A_571 = vector.broadcast %get3A_2 : f32 to vector<1x4096xf32>
    %add3A_572 = arith.addf %add3A_570, %add3A_571 : vector<1x4096xf32>
    %div3A_573 = vector.broadcast %get3A_6 : f32 to vector<1x4096xf32>
    %div3A_574 = arith.divf %add3A_572, %div3A_573 : vector<1x4096xf32>
    %exp3A_575 = math.exp %div3A_574 : vector<1x4096xf32>
    %log1p3A_576 = math.log1p %exp3A_575 : vector<1x4096xf32>
    %mul3A_577 = vector.broadcast %get3A_6 : f32 to vector<1x4096xf32>
    %mul3A_578 = arith.mulf %mul3A_577, %log1p3A_576 : vector<1x4096xf32>
    %add3A_579 = arith.addf %mul3A_566, %mul3A_578 : vector<1x4096xf32>
    %get3A_580 = arith.constant 0 : index
    %get3A_581 = arith.constant 40960 : index
    %get3A_582 = vector.load %arg1[%get3A_580, %get3A_581] : memref<1x81920xf32, #tpu.memory_space<vmem>>, vector<1x4096xf32>
    %add3A_583 = arith.addf %get3A_582, %get3A_15 : vector<1x4096xf32>
    %add3A_584 = vector.broadcast %get3A_0 : f32 to vector<1x4096xf32>
    %add3A_585 = arith.addf %add3A_583, %add3A_584 : vector<1x4096xf32>
    %div3A_586 = vector.broadcast %get3A_4 : f32 to vector<1x4096xf32>
    %div3A_587 = arith.divf %add3A_585, %div3A_586 : vector<1x4096xf32>
    %exp3A_588 = math.exp %div3A_587 : vector<1x4096xf32>
    %log1p3A_589 = math.log1p %exp3A_588 : vector<1x4096xf32>
    %mul3A_590 = vector.broadcast %get3A_4 : f32 to vector<1x4096xf32>
    %mul3A_591 = arith.mulf %mul3A_590, %log1p3A_589 : vector<1x4096xf32>
    %add3A_592 = arith.addf %add3A_579, %mul3A_591 : vector<1x4096xf32>
    %get3A_593 = arith.constant 0 : index
    %get3A_594 = arith.constant 40960 : index
    %get3A_595 = vector.load %arg2[%get3A_593, %get3A_594] : memref<1x81920xf32, #tpu.memory_space<vmem>>, vector<1x4096xf32>
    %add3A_596 = arith.addf %get3A_595, %get3A_18 : vector<1x4096xf32>
    %add3A_597 = vector.broadcast %get3A_2 : f32 to vector<1x4096xf32>
    %add3A_598 = arith.addf %add3A_596, %add3A_597 : vector<1x4096xf32>
    %div3A_599 = vector.broadcast %get3A_6 : f32 to vector<1x4096xf32>
    %div3A_600 = arith.divf %add3A_598, %div3A_599 : vector<1x4096xf32>
    %exp3A_601 = math.exp %div3A_600 : vector<1x4096xf32>
    %log1p3A_602 = math.log1p %exp3A_601 : vector<1x4096xf32>
    %mul3A_603 = vector.broadcast %get3A_6 : f32 to vector<1x4096xf32>
    %mul3A_604 = arith.mulf %mul3A_603, %log1p3A_602 : vector<1x4096xf32>
    %add3A_605 = arith.addf %add3A_592, %mul3A_604 : vector<1x4096xf32>
    %add3A_606 = arith.addf %add3A_554, %add3A_605 : vector<1x4096xf32>
    %get3A_607 = arith.constant 0 : index
    %get3A_608 = arith.constant 45056 : index
    %get3A_609 = vector.load %arg3[%get3A_607, %get3A_608] : memref<1x81920xf32, #tpu.memory_space<vmem>>, vector<1x4096xf32>
    %add3A_610 = arith.addf %get3A_9, %get3A_609 : vector<1x4096xf32>
    %add3A_611 = vector.broadcast %get3A_0 : f32 to vector<1x4096xf32>
    %add3A_612 = arith.addf %add3A_610, %add3A_611 : vector<1x4096xf32>
    %div3A_613 = vector.broadcast %get3A_4 : f32 to vector<1x4096xf32>
    %div3A_614 = arith.divf %add3A_612, %div3A_613 : vector<1x4096xf32>
    %exp3A_615 = math.exp %div3A_614 : vector<1x4096xf32>
    %log1p3A_616 = math.log1p %exp3A_615 : vector<1x4096xf32>
    %mul3A_617 = vector.broadcast %get3A_4 : f32 to vector<1x4096xf32>
    %mul3A_618 = arith.mulf %mul3A_617, %log1p3A_616 : vector<1x4096xf32>
    %get3A_619 = arith.constant 0 : index
    %get3A_620 = arith.constant 45056 : index
    %get3A_621 = vector.load %arg4[%get3A_619, %get3A_620] : memref<1x81920xf32, #tpu.memory_space<vmem>>, vector<1x4096xf32>
    %add3A_622 = arith.addf %get3A_12, %get3A_621 : vector<1x4096xf32>
    %add3A_623 = vector.broadcast %get3A_2 : f32 to vector<1x4096xf32>
    %add3A_624 = arith.addf %add3A_622, %add3A_623 : vector<1x4096xf32>
    %div3A_625 = vector.broadcast %get3A_6 : f32 to vector<1x4096xf32>
    %div3A_626 = arith.divf %add3A_624, %div3A_625 : vector<1x4096xf32>
    %exp3A_627 = math.exp %div3A_626 : vector<1x4096xf32>
    %log1p3A_628 = math.log1p %exp3A_627 : vector<1x4096xf32>
    %mul3A_629 = vector.broadcast %get3A_6 : f32 to vector<1x4096xf32>
    %mul3A_630 = arith.mulf %mul3A_629, %log1p3A_628 : vector<1x4096xf32>
    %add3A_631 = arith.addf %mul3A_618, %mul3A_630 : vector<1x4096xf32>
    %get3A_632 = arith.constant 0 : index
    %get3A_633 = arith.constant 45056 : index
    %get3A_634 = vector.load %arg1[%get3A_632, %get3A_633] : memref<1x81920xf32, #tpu.memory_space<vmem>>, vector<1x4096xf32>
    %add3A_635 = arith.addf %get3A_634, %get3A_15 : vector<1x4096xf32>
    %add3A_636 = vector.broadcast %get3A_0 : f32 to vector<1x4096xf32>
    %add3A_637 = arith.addf %add3A_635, %add3A_636 : vector<1x4096xf32>
    %div3A_638 = vector.broadcast %get3A_4 : f32 to vector<1x4096xf32>
    %div3A_639 = arith.divf %add3A_637, %div3A_638 : vector<1x4096xf32>
    %exp3A_640 = math.exp %div3A_639 : vector<1x4096xf32>
    %log1p3A_641 = math.log1p %exp3A_640 : vector<1x4096xf32>
    %mul3A_642 = vector.broadcast %get3A_4 : f32 to vector<1x4096xf32>
    %mul3A_643 = arith.mulf %mul3A_642, %log1p3A_641 : vector<1x4096xf32>
    %add3A_644 = arith.addf %add3A_631, %mul3A_643 : vector<1x4096xf32>
    %get3A_645 = arith.constant 0 : index
    %get3A_646 = arith.constant 45056 : index
    %get3A_647 = vector.load %arg2[%get3A_645, %get3A_646] : memref<1x81920xf32, #tpu.memory_space<vmem>>, vector<1x4096xf32>
    %add3A_648 = arith.addf %get3A_647, %get3A_18 : vector<1x4096xf32>
    %add3A_649 = vector.broadcast %get3A_2 : f32 to vector<1x4096xf32>
    %add3A_650 = arith.addf %add3A_648, %add3A_649 : vector<1x4096xf32>
    %div3A_651 = vector.broadcast %get3A_6 : f32 to vector<1x4096xf32>
    %div3A_652 = arith.divf %add3A_650, %div3A_651 : vector<1x4096xf32>
    %exp3A_653 = math.exp %div3A_652 : vector<1x4096xf32>
    %log1p3A_654 = math.log1p %exp3A_653 : vector<1x4096xf32>
    %mul3A_655 = vector.broadcast %get3A_6 : f32 to vector<1x4096xf32>
    %mul3A_656 = arith.mulf %mul3A_655, %log1p3A_654 : vector<1x4096xf32>
    %add3A_657 = arith.addf %add3A_644, %mul3A_656 : vector<1x4096xf32>
    %add3A_658 = arith.addf %add3A_606, %add3A_657 : vector<1x4096xf32>
    %get3A_659 = arith.constant 0 : index
    %get3A_660 = arith.constant 49152 : index
    %get3A_661 = vector.load %arg3[%get3A_659, %get3A_660] : memref<1x81920xf32, #tpu.memory_space<vmem>>, vector<1x4096xf32>
    %add3A_662 = arith.addf %get3A_9, %get3A_661 : vector<1x4096xf32>
    %add3A_663 = vector.broadcast %get3A_0 : f32 to vector<1x4096xf32>
    %add3A_664 = arith.addf %add3A_662, %add3A_663 : vector<1x4096xf32>
    %div3A_665 = vector.broadcast %get3A_4 : f32 to vector<1x4096xf32>
    %div3A_666 = arith.divf %add3A_664, %div3A_665 : vector<1x4096xf32>
    %exp3A_667 = math.exp %div3A_666 : vector<1x4096xf32>
    %log1p3A_668 = math.log1p %exp3A_667 : vector<1x4096xf32>
    %mul3A_669 = vector.broadcast %get3A_4 : f32 to vector<1x4096xf32>
    %mul3A_670 = arith.mulf %mul3A_669, %log1p3A_668 : vector<1x4096xf32>
    %get3A_671 = arith.constant 0 : index
    %get3A_672 = arith.constant 49152 : index
    %get3A_673 = vector.load %arg4[%get3A_671, %get3A_672] : memref<1x81920xf32, #tpu.memory_space<vmem>>, vector<1x4096xf32>
    %add3A_674 = arith.addf %get3A_12, %get3A_673 : vector<1x4096xf32>
    %add3A_675 = vector.broadcast %get3A_2 : f32 to vector<1x4096xf32>
    %add3A_676 = arith.addf %add3A_674, %add3A_675 : vector<1x4096xf32>
    %div3A_677 = vector.broadcast %get3A_6 : f32 to vector<1x4096xf32>
    %div3A_678 = arith.divf %add3A_676, %div3A_677 : vector<1x4096xf32>
    %exp3A_679 = math.exp %div3A_678 : vector<1x4096xf32>
    %log1p3A_680 = math.log1p %exp3A_679 : vector<1x4096xf32>
    %mul3A_681 = vector.broadcast %get3A_6 : f32 to vector<1x4096xf32>
    %mul3A_682 = arith.mulf %mul3A_681, %log1p3A_680 : vector<1x4096xf32>
    %add3A_683 = arith.addf %mul3A_670, %mul3A_682 : vector<1x4096xf32>
    %get3A_684 = arith.constant 0 : index
    %get3A_685 = arith.constant 49152 : index
    %get3A_686 = vector.load %arg1[%get3A_684, %get3A_685] : memref<1x81920xf32, #tpu.memory_space<vmem>>, vector<1x4096xf32>
    %add3A_687 = arith.addf %get3A_686, %get3A_15 : vector<1x4096xf32>
    %add3A_688 = vector.broadcast %get3A_0 : f32 to vector<1x4096xf32>
    %add3A_689 = arith.addf %add3A_687, %add3A_688 : vector<1x4096xf32>
    %div3A_690 = vector.broadcast %get3A_4 : f32 to vector<1x4096xf32>
    %div3A_691 = arith.divf %add3A_689, %div3A_690 : vector<1x4096xf32>
    %exp3A_692 = math.exp %div3A_691 : vector<1x4096xf32>
    %log1p3A_693 = math.log1p %exp3A_692 : vector<1x4096xf32>
    %mul3A_694 = vector.broadcast %get3A_4 : f32 to vector<1x4096xf32>
    %mul3A_695 = arith.mulf %mul3A_694, %log1p3A_693 : vector<1x4096xf32>
    %add3A_696 = arith.addf %add3A_683, %mul3A_695 : vector<1x4096xf32>
    %get3A_697 = arith.constant 0 : index
    %get3A_698 = arith.constant 49152 : index
    %get3A_699 = vector.load %arg2[%get3A_697, %get3A_698] : memref<1x81920xf32, #tpu.memory_space<vmem>>, vector<1x4096xf32>
    %add3A_700 = arith.addf %get3A_699, %get3A_18 : vector<1x4096xf32>
    %add3A_701 = vector.broadcast %get3A_2 : f32 to vector<1x4096xf32>
    %add3A_702 = arith.addf %add3A_700, %add3A_701 : vector<1x4096xf32>
    %div3A_703 = vector.broadcast %get3A_6 : f32 to vector<1x4096xf32>
    %div3A_704 = arith.divf %add3A_702, %div3A_703 : vector<1x4096xf32>
    %exp3A_705 = math.exp %div3A_704 : vector<1x4096xf32>
    %log1p3A_706 = math.log1p %exp3A_705 : vector<1x4096xf32>
    %mul3A_707 = vector.broadcast %get3A_6 : f32 to vector<1x4096xf32>
    %mul3A_708 = arith.mulf %mul3A_707, %log1p3A_706 : vector<1x4096xf32>
    %add3A_709 = arith.addf %add3A_696, %mul3A_708 : vector<1x4096xf32>
    %add3A_710 = arith.addf %add3A_658, %add3A_709 : vector<1x4096xf32>
    %get3A_711 = arith.constant 0 : index
    %get3A_712 = arith.constant 53248 : index
    %get3A_713 = vector.load %arg3[%get3A_711, %get3A_712] : memref<1x81920xf32, #tpu.memory_space<vmem>>, vector<1x4096xf32>
    %add3A_714 = arith.addf %get3A_9, %get3A_713 : vector<1x4096xf32>
    %add3A_715 = vector.broadcast %get3A_0 : f32 to vector<1x4096xf32>
    %add3A_716 = arith.addf %add3A_714, %add3A_715 : vector<1x4096xf32>
    %div3A_717 = vector.broadcast %get3A_4 : f32 to vector<1x4096xf32>
    %div3A_718 = arith.divf %add3A_716, %div3A_717 : vector<1x4096xf32>
    %exp3A_719 = math.exp %div3A_718 : vector<1x4096xf32>
    %log1p3A_720 = math.log1p %exp3A_719 : vector<1x4096xf32>
    %mul3A_721 = vector.broadcast %get3A_4 : f32 to vector<1x4096xf32>
    %mul3A_722 = arith.mulf %mul3A_721, %log1p3A_720 : vector<1x4096xf32>
    %get3A_723 = arith.constant 0 : index
    %get3A_724 = arith.constant 53248 : index
    %get3A_725 = vector.load %arg4[%get3A_723, %get3A_724] : memref<1x81920xf32, #tpu.memory_space<vmem>>, vector<1x4096xf32>
    %add3A_726 = arith.addf %get3A_12, %get3A_725 : vector<1x4096xf32>
    %add3A_727 = vector.broadcast %get3A_2 : f32 to vector<1x4096xf32>
    %add3A_728 = arith.addf %add3A_726, %add3A_727 : vector<1x4096xf32>
    %div3A_729 = vector.broadcast %get3A_6 : f32 to vector<1x4096xf32>
    %div3A_730 = arith.divf %add3A_728, %div3A_729 : vector<1x4096xf32>
    %exp3A_731 = math.exp %div3A_730 : vector<1x4096xf32>
    %log1p3A_732 = math.log1p %exp3A_731 : vector<1x4096xf32>
    %mul3A_733 = vector.broadcast %get3A_6 : f32 to vector<1x4096xf32>
    %mul3A_734 = arith.mulf %mul3A_733, %log1p3A_732 : vector<1x4096xf32>
    %add3A_735 = arith.addf %mul3A_722, %mul3A_734 : vector<1x4096xf32>
    %get3A_736 = arith.constant 0 : index
    %get3A_737 = arith.constant 53248 : index
    %get3A_738 = vector.load %arg1[%get3A_736, %get3A_737] : memref<1x81920xf32, #tpu.memory_space<vmem>>, vector<1x4096xf32>
    %add3A_739 = arith.addf %get3A_738, %get3A_15 : vector<1x4096xf32>
    %add3A_740 = vector.broadcast %get3A_0 : f32 to vector<1x4096xf32>
    %add3A_741 = arith.addf %add3A_739, %add3A_740 : vector<1x4096xf32>
    %div3A_742 = vector.broadcast %get3A_4 : f32 to vector<1x4096xf32>
    %div3A_743 = arith.divf %add3A_741, %div3A_742 : vector<1x4096xf32>
    %exp3A_744 = math.exp %div3A_743 : vector<1x4096xf32>
    %log1p3A_745 = math.log1p %exp3A_744 : vector<1x4096xf32>
    %mul3A_746 = vector.broadcast %get3A_4 : f32 to vector<1x4096xf32>
    %mul3A_747 = arith.mulf %mul3A_746, %log1p3A_745 : vector<1x4096xf32>
    %add3A_748 = arith.addf %add3A_735, %mul3A_747 : vector<1x4096xf32>
    %get3A_749 = arith.constant 0 : index
    %get3A_750 = arith.constant 53248 : index
    %get3A_751 = vector.load %arg2[%get3A_749, %get3A_750] : memref<1x81920xf32, #tpu.memory_space<vmem>>, vector<1x4096xf32>
    %add3A_752 = arith.addf %get3A_751, %get3A_18 : vector<1x4096xf32>
    %add3A_753 = vector.broadcast %get3A_2 : f32 to vector<1x4096xf32>
    %add3A_754 = arith.addf %add3A_752, %add3A_753 : vector<1x4096xf32>
    %div3A_755 = vector.broadcast %get3A_6 : f32 to vector<1x4096xf32>
    %div3A_756 = arith.divf %add3A_754, %div3A_755 : vector<1x4096xf32>
    %exp3A_757 = math.exp %div3A_756 : vector<1x4096xf32>
    %log1p3A_758 = math.log1p %exp3A_757 : vector<1x4096xf32>
    %mul3A_759 = vector.broadcast %get3A_6 : f32 to vector<1x4096xf32>
    %mul3A_760 = arith.mulf %mul3A_759, %log1p3A_758 : vector<1x4096xf32>
    %add3A_761 = arith.addf %add3A_748, %mul3A_760 : vector<1x4096xf32>
    %add3A_762 = arith.addf %add3A_710, %add3A_761 : vector<1x4096xf32>
    %get3A_763 = arith.constant 0 : index
    %get3A_764 = arith.constant 57344 : index
    %get3A_765 = vector.load %arg3[%get3A_763, %get3A_764] : memref<1x81920xf32, #tpu.memory_space<vmem>>, vector<1x4096xf32>
    %add3A_766 = arith.addf %get3A_9, %get3A_765 : vector<1x4096xf32>
    %add3A_767 = vector.broadcast %get3A_0 : f32 to vector<1x4096xf32>
    %add3A_768 = arith.addf %add3A_766, %add3A_767 : vector<1x4096xf32>
    %div3A_769 = vector.broadcast %get3A_4 : f32 to vector<1x4096xf32>
    %div3A_770 = arith.divf %add3A_768, %div3A_769 : vector<1x4096xf32>
    %exp3A_771 = math.exp %div3A_770 : vector<1x4096xf32>
    %log1p3A_772 = math.log1p %exp3A_771 : vector<1x4096xf32>
    %mul3A_773 = vector.broadcast %get3A_4 : f32 to vector<1x4096xf32>
    %mul3A_774 = arith.mulf %mul3A_773, %log1p3A_772 : vector<1x4096xf32>
    %get3A_775 = arith.constant 0 : index
    %get3A_776 = arith.constant 57344 : index
    %get3A_777 = vector.load %arg4[%get3A_775, %get3A_776] : memref<1x81920xf32, #tpu.memory_space<vmem>>, vector<1x4096xf32>
    %add3A_778 = arith.addf %get3A_12, %get3A_777 : vector<1x4096xf32>
    %add3A_779 = vector.broadcast %get3A_2 : f32 to vector<1x4096xf32>
    %add3A_780 = arith.addf %add3A_778, %add3A_779 : vector<1x4096xf32>
    %div3A_781 = vector.broadcast %get3A_6 : f32 to vector<1x4096xf32>
    %div3A_782 = arith.divf %add3A_780, %div3A_781 : vector<1x4096xf32>
    %exp3A_783 = math.exp %div3A_782 : vector<1x4096xf32>
    %log1p3A_784 = math.log1p %exp3A_783 : vector<1x4096xf32>
    %mul3A_785 = vector.broadcast %get3A_6 : f32 to vector<1x4096xf32>
    %mul3A_786 = arith.mulf %mul3A_785, %log1p3A_784 : vector<1x4096xf32>
    %add3A_787 = arith.addf %mul3A_774, %mul3A_786 : vector<1x4096xf32>
    %get3A_788 = arith.constant 0 : index
    %get3A_789 = arith.constant 57344 : index
    %get3A_790 = vector.load %arg1[%get3A_788, %get3A_789] : memref<1x81920xf32, #tpu.memory_space<vmem>>, vector<1x4096xf32>
    %add3A_791 = arith.addf %get3A_790, %get3A_15 : vector<1x4096xf32>
    %add3A_792 = vector.broadcast %get3A_0 : f32 to vector<1x4096xf32>
    %add3A_793 = arith.addf %add3A_791, %add3A_792 : vector<1x4096xf32>
    %div3A_794 = vector.broadcast %get3A_4 : f32 to vector<1x4096xf32>
    %div3A_795 = arith.divf %add3A_793, %div3A_794 : vector<1x4096xf32>
    %exp3A_796 = math.exp %div3A_795 : vector<1x4096xf32>
    %log1p3A_797 = math.log1p %exp3A_796 : vector<1x4096xf32>
    %mul3A_798 = vector.broadcast %get3A_4 : f32 to vector<1x4096xf32>
    %mul3A_799 = arith.mulf %mul3A_798, %log1p3A_797 : vector<1x4096xf32>
    %add3A_800 = arith.addf %add3A_787, %mul3A_799 : vector<1x4096xf32>
    %get3A_801 = arith.constant 0 : index
    %get3A_802 = arith.constant 57344 : index
    %get3A_803 = vector.load %arg2[%get3A_801, %get3A_802] : memref<1x81920xf32, #tpu.memory_space<vmem>>, vector<1x4096xf32>
    %add3A_804 = arith.addf %get3A_803, %get3A_18 : vector<1x4096xf32>
    %add3A_805 = vector.broadcast %get3A_2 : f32 to vector<1x4096xf32>
    %add3A_806 = arith.addf %add3A_804, %add3A_805 : vector<1x4096xf32>
    %div3A_807 = vector.broadcast %get3A_6 : f32 to vector<1x4096xf32>
    %div3A_808 = arith.divf %add3A_806, %div3A_807 : vector<1x4096xf32>
    %exp3A_809 = math.exp %div3A_808 : vector<1x4096xf32>
    %log1p3A_810 = math.log1p %exp3A_809 : vector<1x4096xf32>
    %mul3A_811 = vector.broadcast %get3A_6 : f32 to vector<1x4096xf32>
    %mul3A_812 = arith.mulf %mul3A_811, %log1p3A_810 : vector<1x4096xf32>
    %add3A_813 = arith.addf %add3A_800, %mul3A_812 : vector<1x4096xf32>
    %add3A_814 = arith.addf %add3A_762, %add3A_813 : vector<1x4096xf32>
    %get3A_815 = arith.constant 0 : index
    %get3A_816 = arith.constant 61440 : index
    %get3A_817 = vector.load %arg3[%get3A_815, %get3A_816] : memref<1x81920xf32, #tpu.memory_space<vmem>>, vector<1x4096xf32>
    %add3A_818 = arith.addf %get3A_9, %get3A_817 : vector<1x4096xf32>
    %add3A_819 = vector.broadcast %get3A_0 : f32 to vector<1x4096xf32>
    %add3A_820 = arith.addf %add3A_818, %add3A_819 : vector<1x4096xf32>
    %div3A_821 = vector.broadcast %get3A_4 : f32 to vector<1x4096xf32>
    %div3A_822 = arith.divf %add3A_820, %div3A_821 : vector<1x4096xf32>
    %exp3A_823 = math.exp %div3A_822 : vector<1x4096xf32>
    %log1p3A_824 = math.log1p %exp3A_823 : vector<1x4096xf32>
    %mul3A_825 = vector.broadcast %get3A_4 : f32 to vector<1x4096xf32>
    %mul3A_826 = arith.mulf %mul3A_825, %log1p3A_824 : vector<1x4096xf32>
    %get3A_827 = arith.constant 0 : index
    %get3A_828 = arith.constant 61440 : index
    %get3A_829 = vector.load %arg4[%get3A_827, %get3A_828] : memref<1x81920xf32, #tpu.memory_space<vmem>>, vector<1x4096xf32>
    %add3A_830 = arith.addf %get3A_12, %get3A_829 : vector<1x4096xf32>
    %add3A_831 = vector.broadcast %get3A_2 : f32 to vector<1x4096xf32>
    %add3A_832 = arith.addf %add3A_830, %add3A_831 : vector<1x4096xf32>
    %div3A_833 = vector.broadcast %get3A_6 : f32 to vector<1x4096xf32>
    %div3A_834 = arith.divf %add3A_832, %div3A_833 : vector<1x4096xf32>
    %exp3A_835 = math.exp %div3A_834 : vector<1x4096xf32>
    %log1p3A_836 = math.log1p %exp3A_835 : vector<1x4096xf32>
    %mul3A_837 = vector.broadcast %get3A_6 : f32 to vector<1x4096xf32>
    %mul3A_838 = arith.mulf %mul3A_837, %log1p3A_836 : vector<1x4096xf32>
    %add3A_839 = arith.addf %mul3A_826, %mul3A_838 : vector<1x4096xf32>
    %get3A_840 = arith.constant 0 : index
    %get3A_841 = arith.constant 61440 : index
    %get3A_842 = vector.load %arg1[%get3A_840, %get3A_841] : memref<1x81920xf32, #tpu.memory_space<vmem>>, vector<1x4096xf32>
    %add3A_843 = arith.addf %get3A_842, %get3A_15 : vector<1x4096xf32>
    %add3A_844 = vector.broadcast %get3A_0 : f32 to vector<1x4096xf32>
    %add3A_845 = arith.addf %add3A_843, %add3A_844 : vector<1x4096xf32>
    %div3A_846 = vector.broadcast %get3A_4 : f32 to vector<1x4096xf32>
    %div3A_847 = arith.divf %add3A_845, %div3A_846 : vector<1x4096xf32>
    %exp3A_848 = math.exp %div3A_847 : vector<1x4096xf32>
    %log1p3A_849 = math.log1p %exp3A_848 : vector<1x4096xf32>
    %mul3A_850 = vector.broadcast %get3A_4 : f32 to vector<1x4096xf32>
    %mul3A_851 = arith.mulf %mul3A_850, %log1p3A_849 : vector<1x4096xf32>
    %add3A_852 = arith.addf %add3A_839, %mul3A_851 : vector<1x4096xf32>
    %get3A_853 = arith.constant 0 : index
    %get3A_854 = arith.constant 61440 : index
    %get3A_855 = vector.load %arg2[%get3A_853, %get3A_854] : memref<1x81920xf32, #tpu.memory_space<vmem>>, vector<1x4096xf32>
    %add3A_856 = arith.addf %get3A_855, %get3A_18 : vector<1x4096xf32>
    %add3A_857 = vector.broadcast %get3A_2 : f32 to vector<1x4096xf32>
    %add3A_858 = arith.addf %add3A_856, %add3A_857 : vector<1x4096xf32>
    %div3A_859 = vector.broadcast %get3A_6 : f32 to vector<1x4096xf32>
    %div3A_860 = arith.divf %add3A_858, %div3A_859 : vector<1x4096xf32>
    %exp3A_861 = math.exp %div3A_860 : vector<1x4096xf32>
    %log1p3A_862 = math.log1p %exp3A_861 : vector<1x4096xf32>
    %mul3A_863 = vector.broadcast %get3A_6 : f32 to vector<1x4096xf32>
    %mul3A_864 = arith.mulf %mul3A_863, %log1p3A_862 : vector<1x4096xf32>
    %add3A_865 = arith.addf %add3A_852, %mul3A_864 : vector<1x4096xf32>
    %add3A_866 = arith.addf %add3A_814, %add3A_865 : vector<1x4096xf32>
    %get3A_867 = arith.constant 0 : index
    %get3A_868 = arith.constant 65536 : index
    %get3A_869 = vector.load %arg3[%get3A_867, %get3A_868] : memref<1x81920xf32, #tpu.memory_space<vmem>>, vector<1x4096xf32>
    %add3A_870 = arith.addf %get3A_9, %get3A_869 : vector<1x4096xf32>
    %add3A_871 = vector.broadcast %get3A_0 : f32 to vector<1x4096xf32>
    %add3A_872 = arith.addf %add3A_870, %add3A_871 : vector<1x4096xf32>
    %div3A_873 = vector.broadcast %get3A_4 : f32 to vector<1x4096xf32>
    %div3A_874 = arith.divf %add3A_872, %div3A_873 : vector<1x4096xf32>
    %exp3A_875 = math.exp %div3A_874 : vector<1x4096xf32>
    %log1p3A_876 = math.log1p %exp3A_875 : vector<1x4096xf32>
    %mul3A_877 = vector.broadcast %get3A_4 : f32 to vector<1x4096xf32>
    %mul3A_878 = arith.mulf %mul3A_877, %log1p3A_876 : vector<1x4096xf32>
    %get3A_879 = arith.constant 0 : index
    %get3A_880 = arith.constant 65536 : index
    %get3A_881 = vector.load %arg4[%get3A_879, %get3A_880] : memref<1x81920xf32, #tpu.memory_space<vmem>>, vector<1x4096xf32>
    %add3A_882 = arith.addf %get3A_12, %get3A_881 : vector<1x4096xf32>
    %add3A_883 = vector.broadcast %get3A_2 : f32 to vector<1x4096xf32>
    %add3A_884 = arith.addf %add3A_882, %add3A_883 : vector<1x4096xf32>
    %div3A_885 = vector.broadcast %get3A_6 : f32 to vector<1x4096xf32>
    %div3A_886 = arith.divf %add3A_884, %div3A_885 : vector<1x4096xf32>
    %exp3A_887 = math.exp %div3A_886 : vector<1x4096xf32>
    %log1p3A_888 = math.log1p %exp3A_887 : vector<1x4096xf32>
    %mul3A_889 = vector.broadcast %get3A_6 : f32 to vector<1x4096xf32>
    %mul3A_890 = arith.mulf %mul3A_889, %log1p3A_888 : vector<1x4096xf32>
    %add3A_891 = arith.addf %mul3A_878, %mul3A_890 : vector<1x4096xf32>
    %get3A_892 = arith.constant 0 : index
    %get3A_893 = arith.constant 65536 : index
    %get3A_894 = vector.load %arg1[%get3A_892, %get3A_893] : memref<1x81920xf32, #tpu.memory_space<vmem>>, vector<1x4096xf32>
    %add3A_895 = arith.addf %get3A_894, %get3A_15 : vector<1x4096xf32>
    %add3A_896 = vector.broadcast %get3A_0 : f32 to vector<1x4096xf32>
    %add3A_897 = arith.addf %add3A_895, %add3A_896 : vector<1x4096xf32>
    %div3A_898 = vector.broadcast %get3A_4 : f32 to vector<1x4096xf32>
    %div3A_899 = arith.divf %add3A_897, %div3A_898 : vector<1x4096xf32>
    %exp3A_900 = math.exp %div3A_899 : vector<1x4096xf32>
    %log1p3A_901 = math.log1p %exp3A_900 : vector<1x4096xf32>
    %mul3A_902 = vector.broadcast %get3A_4 : f32 to vector<1x4096xf32>
    %mul3A_903 = arith.mulf %mul3A_902, %log1p3A_901 : vector<1x4096xf32>
    %add3A_904 = arith.addf %add3A_891, %mul3A_903 : vector<1x4096xf32>
    %get3A_905 = arith.constant 0 : index
    %get3A_906 = arith.constant 65536 : index
    %get3A_907 = vector.load %arg2[%get3A_905, %get3A_906] : memref<1x81920xf32, #tpu.memory_space<vmem>>, vector<1x4096xf32>
    %add3A_908 = arith.addf %get3A_907, %get3A_18 : vector<1x4096xf32>
    %add3A_909 = vector.broadcast %get3A_2 : f32 to vector<1x4096xf32>
    %add3A_910 = arith.addf %add3A_908, %add3A_909 : vector<1x4096xf32>
    %div3A_911 = vector.broadcast %get3A_6 : f32 to vector<1x4096xf32>
    %div3A_912 = arith.divf %add3A_910, %div3A_911 : vector<1x4096xf32>
    %exp3A_913 = math.exp %div3A_912 : vector<1x4096xf32>
    %log1p3A_914 = math.log1p %exp3A_913 : vector<1x4096xf32>
    %mul3A_915 = vector.broadcast %get3A_6 : f32 to vector<1x4096xf32>
    %mul3A_916 = arith.mulf %mul3A_915, %log1p3A_914 : vector<1x4096xf32>
    %add3A_917 = arith.addf %add3A_904, %mul3A_916 : vector<1x4096xf32>
    %add3A_918 = arith.addf %add3A_866, %add3A_917 : vector<1x4096xf32>
    %get3A_919 = arith.constant 0 : index
    %get3A_920 = arith.constant 69632 : index
    %get3A_921 = vector.load %arg3[%get3A_919, %get3A_920] : memref<1x81920xf32, #tpu.memory_space<vmem>>, vector<1x4096xf32>
    %add3A_922 = arith.addf %get3A_9, %get3A_921 : vector<1x4096xf32>
    %add3A_923 = vector.broadcast %get3A_0 : f32 to vector<1x4096xf32>
    %add3A_924 = arith.addf %add3A_922, %add3A_923 : vector<1x4096xf32>
    %div3A_925 = vector.broadcast %get3A_4 : f32 to vector<1x4096xf32>
    %div3A_926 = arith.divf %add3A_924, %div3A_925 : vector<1x4096xf32>
    %exp3A_927 = math.exp %div3A_926 : vector<1x4096xf32>
    %log1p3A_928 = math.log1p %exp3A_927 : vector<1x4096xf32>
    %mul3A_929 = vector.broadcast %get3A_4 : f32 to vector<1x4096xf32>
    %mul3A_930 = arith.mulf %mul3A_929, %log1p3A_928 : vector<1x4096xf32>
    %get3A_931 = arith.constant 0 : index
    %get3A_932 = arith.constant 69632 : index
    %get3A_933 = vector.load %arg4[%get3A_931, %get3A_932] : memref<1x81920xf32, #tpu.memory_space<vmem>>, vector<1x4096xf32>
    %add3A_934 = arith.addf %get3A_12, %get3A_933 : vector<1x4096xf32>
    %add3A_935 = vector.broadcast %get3A_2 : f32 to vector<1x4096xf32>
    %add3A_936 = arith.addf %add3A_934, %add3A_935 : vector<1x4096xf32>
    %div3A_937 = vector.broadcast %get3A_6 : f32 to vector<1x4096xf32>
    %div3A_938 = arith.divf %add3A_936, %div3A_937 : vector<1x4096xf32>
    %exp3A_939 = math.exp %div3A_938 : vector<1x4096xf32>
    %log1p3A_940 = math.log1p %exp3A_939 : vector<1x4096xf32>
    %mul3A_941 = vector.broadcast %get3A_6 : f32 to vector<1x4096xf32>
    %mul3A_942 = arith.mulf %mul3A_941, %log1p3A_940 : vector<1x4096xf32>
    %add3A_943 = arith.addf %mul3A_930, %mul3A_942 : vector<1x4096xf32>
    %get3A_944 = arith.constant 0 : index
    %get3A_945 = arith.constant 69632 : index
    %get3A_946 = vector.load %arg1[%get3A_944, %get3A_945] : memref<1x81920xf32, #tpu.memory_space<vmem>>, vector<1x4096xf32>
    %add3A_947 = arith.addf %get3A_946, %get3A_15 : vector<1x4096xf32>
    %add3A_948 = vector.broadcast %get3A_0 : f32 to vector<1x4096xf32>
    %add3A_949 = arith.addf %add3A_947, %add3A_948 : vector<1x4096xf32>
    %div3A_950 = vector.broadcast %get3A_4 : f32 to vector<1x4096xf32>
    %div3A_951 = arith.divf %add3A_949, %div3A_950 : vector<1x4096xf32>
    %exp3A_952 = math.exp %div3A_951 : vector<1x4096xf32>
    %log1p3A_953 = math.log1p %exp3A_952 : vector<1x4096xf32>
    %mul3A_954 = vector.broadcast %get3A_4 : f32 to vector<1x4096xf32>
    %mul3A_955 = arith.mulf %mul3A_954, %log1p3A_953 : vector<1x4096xf32>
    %add3A_956 = arith.addf %add3A_943, %mul3A_955 : vector<1x4096xf32>
    %get3A_957 = arith.constant 0 : index
    %get3A_958 = arith.constant 69632 : index
    %get3A_959 = vector.load %arg2[%get3A_957, %get3A_958] : memref<1x81920xf32, #tpu.memory_space<vmem>>, vector<1x4096xf32>
    %add3A_960 = arith.addf %get3A_959, %get3A_18 : vector<1x4096xf32>
    %add3A_961 = vector.broadcast %get3A_2 : f32 to vector<1x4096xf32>
    %add3A_962 = arith.addf %add3A_960, %add3A_961 : vector<1x4096xf32>
    %div3A_963 = vector.broadcast %get3A_6 : f32 to vector<1x4096xf32>
    %div3A_964 = arith.divf %add3A_962, %div3A_963 : vector<1x4096xf32>
    %exp3A_965 = math.exp %div3A_964 : vector<1x4096xf32>
    %log1p3A_966 = math.log1p %exp3A_965 : vector<1x4096xf32>
    %mul3A_967 = vector.broadcast %get3A_6 : f32 to vector<1x4096xf32>
    %mul3A_968 = arith.mulf %mul3A_967, %log1p3A_966 : vector<1x4096xf32>
    %add3A_969 = arith.addf %add3A_956, %mul3A_968 : vector<1x4096xf32>
    %add3A_970 = arith.addf %add3A_918, %add3A_969 : vector<1x4096xf32>
    %get3A_971 = arith.constant 0 : index
    %get3A_972 = arith.constant 73728 : index
    %get3A_973 = vector.load %arg3[%get3A_971, %get3A_972] : memref<1x81920xf32, #tpu.memory_space<vmem>>, vector<1x4096xf32>
    %add3A_974 = arith.addf %get3A_9, %get3A_973 : vector<1x4096xf32>
    %add3A_975 = vector.broadcast %get3A_0 : f32 to vector<1x4096xf32>
    %add3A_976 = arith.addf %add3A_974, %add3A_975 : vector<1x4096xf32>
    %div3A_977 = vector.broadcast %get3A_4 : f32 to vector<1x4096xf32>
    %div3A_978 = arith.divf %add3A_976, %div3A_977 : vector<1x4096xf32>
    %exp3A_979 = math.exp %div3A_978 : vector<1x4096xf32>
    %log1p3A_980 = math.log1p %exp3A_979 : vector<1x4096xf32>
    %mul3A_981 = vector.broadcast %get3A_4 : f32 to vector<1x4096xf32>
    %mul3A_982 = arith.mulf %mul3A_981, %log1p3A_980 : vector<1x4096xf32>
    %get3A_983 = arith.constant 0 : index
    %get3A_984 = arith.constant 73728 : index
    %get3A_985 = vector.load %arg4[%get3A_983, %get3A_984] : memref<1x81920xf32, #tpu.memory_space<vmem>>, vector<1x4096xf32>
    %add3A_986 = arith.addf %get3A_12, %get3A_985 : vector<1x4096xf32>
    %add3A_987 = vector.broadcast %get3A_2 : f32 to vector<1x4096xf32>
    %add3A_988 = arith.addf %add3A_986, %add3A_987 : vector<1x4096xf32>
    %div3A_989 = vector.broadcast %get3A_6 : f32 to vector<1x4096xf32>
    %div3A_990 = arith.divf %add3A_988, %div3A_989 : vector<1x4096xf32>
    %exp3A_991 = math.exp %div3A_990 : vector<1x4096xf32>
    %log1p3A_992 = math.log1p %exp3A_991 : vector<1x4096xf32>
    %mul3A_993 = vector.broadcast %get3A_6 : f32 to vector<1x4096xf32>
    %mul3A_994 = arith.mulf %mul3A_993, %log1p3A_992 : vector<1x4096xf32>
    %add3A_995 = arith.addf %mul3A_982, %mul3A_994 : vector<1x4096xf32>
    %get3A_996 = arith.constant 0 : index
    %get3A_997 = arith.constant 73728 : index
    %get3A_998 = vector.load %arg1[%get3A_996, %get3A_997] : memref<1x81920xf32, #tpu.memory_space<vmem>>, vector<1x4096xf32>
    %add3A_999 = arith.addf %get3A_998, %get3A_15 : vector<1x4096xf32>
    %add3A_1000 = vector.broadcast %get3A_0 : f32 to vector<1x4096xf32>
    %add3A_1001 = arith.addf %add3A_999, %add3A_1000 : vector<1x4096xf32>
    %div3A_1002 = vector.broadcast %get3A_4 : f32 to vector<1x4096xf32>
    %div3A_1003 = arith.divf %add3A_1001, %div3A_1002 : vector<1x4096xf32>
    %exp3A_1004 = math.exp %div3A_1003 : vector<1x4096xf32>
    %log1p3A_1005 = math.log1p %exp3A_1004 : vector<1x4096xf32>
    %mul3A_1006 = vector.broadcast %get3A_4 : f32 to vector<1x4096xf32>
    %mul3A_1007 = arith.mulf %mul3A_1006, %log1p3A_1005 : vector<1x4096xf32>
    %add3A_1008 = arith.addf %add3A_995, %mul3A_1007 : vector<1x4096xf32>
    %get3A_1009 = arith.constant 0 : index
    %get3A_1010 = arith.constant 73728 : index
    %get3A_1011 = vector.load %arg2[%get3A_1009, %get3A_1010] : memref<1x81920xf32, #tpu.memory_space<vmem>>, vector<1x4096xf32>
    %add3A_1012 = arith.addf %get3A_1011, %get3A_18 : vector<1x4096xf32>
    %add3A_1013 = vector.broadcast %get3A_2 : f32 to vector<1x4096xf32>
    %add3A_1014 = arith.addf %add3A_1012, %add3A_1013 : vector<1x4096xf32>
    %div3A_1015 = vector.broadcast %get3A_6 : f32 to vector<1x4096xf32>
    %div3A_1016 = arith.divf %add3A_1014, %div3A_1015 : vector<1x4096xf32>
    %exp3A_1017 = math.exp %div3A_1016 : vector<1x4096xf32>
    %log1p3A_1018 = math.log1p %exp3A_1017 : vector<1x4096xf32>
    %mul3A_1019 = vector.broadcast %get3A_6 : f32 to vector<1x4096xf32>
    %mul3A_1020 = arith.mulf %mul3A_1019, %log1p3A_1018 : vector<1x4096xf32>
    %add3A_1021 = arith.addf %add3A_1008, %mul3A_1020 : vector<1x4096xf32>
    %add3A_1022 = arith.addf %add3A_970, %add3A_1021 : vector<1x4096xf32>
    %get3A_1023 = arith.constant 0 : index
    %get3A_1024 = arith.constant 77824 : index
    %get3A_1025 = vector.load %arg3[%get3A_1023, %get3A_1024] : memref<1x81920xf32, #tpu.memory_space<vmem>>, vector<1x4096xf32>
    %add3A_1026 = arith.addf %get3A_9, %get3A_1025 : vector<1x4096xf32>
    %add3A_1027 = vector.broadcast %get3A_0 : f32 to vector<1x4096xf32>
    %add3A_1028 = arith.addf %add3A_1026, %add3A_1027 : vector<1x4096xf32>
    %div3A_1029 = vector.broadcast %get3A_4 : f32 to vector<1x4096xf32>
    %div3A_1030 = arith.divf %add3A_1028, %div3A_1029 : vector<1x4096xf32>
    %exp3A_1031 = math.exp %div3A_1030 : vector<1x4096xf32>
    %log1p3A_1032 = math.log1p %exp3A_1031 : vector<1x4096xf32>
    %mul3A_1033 = vector.broadcast %get3A_4 : f32 to vector<1x4096xf32>
    %mul3A_1034 = arith.mulf %mul3A_1033, %log1p3A_1032 : vector<1x4096xf32>
    %get3A_1035 = arith.constant 0 : index
    %get3A_1036 = arith.constant 77824 : index
    %get3A_1037 = vector.load %arg4[%get3A_1035, %get3A_1036] : memref<1x81920xf32, #tpu.memory_space<vmem>>, vector<1x4096xf32>
    %add3A_1038 = arith.addf %get3A_12, %get3A_1037 : vector<1x4096xf32>
    %add3A_1039 = vector.broadcast %get3A_2 : f32 to vector<1x4096xf32>
    %add3A_1040 = arith.addf %add3A_1038, %add3A_1039 : vector<1x4096xf32>
    %div3A_1041 = vector.broadcast %get3A_6 : f32 to vector<1x4096xf32>
    %div3A_1042 = arith.divf %add3A_1040, %div3A_1041 : vector<1x4096xf32>
    %exp3A_1043 = math.exp %div3A_1042 : vector<1x4096xf32>
    %log1p3A_1044 = math.log1p %exp3A_1043 : vector<1x4096xf32>
    %mul3A_1045 = vector.broadcast %get3A_6 : f32 to vector<1x4096xf32>
    %mul3A_1046 = arith.mulf %mul3A_1045, %log1p3A_1044 : vector<1x4096xf32>
    %add3A_1047 = arith.addf %mul3A_1034, %mul3A_1046 : vector<1x4096xf32>
    %get3A_1048 = arith.constant 0 : index
    %get3A_1049 = arith.constant 77824 : index
    %get3A_1050 = vector.load %arg1[%get3A_1048, %get3A_1049] : memref<1x81920xf32, #tpu.memory_space<vmem>>, vector<1x4096xf32>
    %add3A_1051 = arith.addf %get3A_1050, %get3A_15 : vector<1x4096xf32>
    %add3A_1052 = vector.broadcast %get3A_0 : f32 to vector<1x4096xf32>
    %add3A_1053 = arith.addf %add3A_1051, %add3A_1052 : vector<1x4096xf32>
    %div3A_1054 = vector.broadcast %get3A_4 : f32 to vector<1x4096xf32>
    %div3A_1055 = arith.divf %add3A_1053, %div3A_1054 : vector<1x4096xf32>
    %exp3A_1056 = math.exp %div3A_1055 : vector<1x4096xf32>
    %log1p3A_1057 = math.log1p %exp3A_1056 : vector<1x4096xf32>
    %mul3A_1058 = vector.broadcast %get3A_4 : f32 to vector<1x4096xf32>
    %mul3A_1059 = arith.mulf %mul3A_1058, %log1p3A_1057 : vector<1x4096xf32>
    %add3A_1060 = arith.addf %add3A_1047, %mul3A_1059 : vector<1x4096xf32>
    %get3A_1061 = arith.constant 0 : index
    %get3A_1062 = arith.constant 77824 : index
    %get3A_1063 = vector.load %arg2[%get3A_1061, %get3A_1062] : memref<1x81920xf32, #tpu.memory_space<vmem>>, vector<1x4096xf32>
    %add3A_1064 = arith.addf %get3A_1063, %get3A_18 : vector<1x4096xf32>
    %add3A_1065 = vector.broadcast %get3A_2 : f32 to vector<1x4096xf32>
    %add3A_1066 = arith.addf %add3A_1064, %add3A_1065 : vector<1x4096xf32>
    %div3A_1067 = vector.broadcast %get3A_6 : f32 to vector<1x4096xf32>
    %div3A_1068 = arith.divf %add3A_1066, %div3A_1067 : vector<1x4096xf32>
    %exp3A_1069 = math.exp %div3A_1068 : vector<1x4096xf32>
    %log1p3A_1070 = math.log1p %exp3A_1069 : vector<1x4096xf32>
    %mul3A_1071 = vector.broadcast %get3A_6 : f32 to vector<1x4096xf32>
    %mul3A_1072 = arith.mulf %mul3A_1071, %log1p3A_1070 : vector<1x4096xf32>
    %add3A_1073 = arith.addf %add3A_1060, %mul3A_1072 : vector<1x4096xf32>
    %add3A_1074 = arith.addf %add3A_1022, %add3A_1073 : vector<1x4096xf32>
    %mul3A_1075 = arith.constant 5.000000e-02 : f32
    %mul3A_1076 = vector.broadcast %mul3A_1075 : f32 to vector<1x4096xf32>
    %mul3A_1077 = arith.mulf %add3A_1074, %mul3A_1076 : vector<1x4096xf32>
    %swap3A_1078 = arith.constant 0 : index
    %swap3A_1079 = arith.constant 0 : index
    %swap3A_1080 = vector.load %arg12[%swap3A_1078, %swap3A_1079] : memref<1x4096xf32, #tpu.memory_space<vmem>>, vector<1x4096xf32>
    tpu.vector_store %arg12[%swap3A_1078, %swap3A_1079], %mul3A_1077 {strides = array<i32>} : memref<1x4096xf32, #tpu.memory_space<vmem>>, vector<1x4096xf32>,
    return
  }
  func.func @transform_0(%arg0: i32) -> (i32, i32) {
    %c0_i32 = arith.constant 0 : i32
    %c0_i32_0 = arith.constant 0 : i32
    %c0_i32_1 = arith.constant 0 : i32
    return %c0_i32, %c0_i32_0 : i32, i32
  }
  func.func @transform_1(%arg0: i32) -> (i32, i32) {
    %c0_i32 = arith.constant 0 : i32
    %c0_i32_0 = arith.constant 0 : i32
    %c0_i32_1 = arith.constant 0 : i32
    return %c0_i32, %c0_i32_0 : i32, i32
  }
  func.func @transform_2(%arg0: i32) -> (i32, i32) {
    %c0_i32 = arith.constant 0 : i32
    %c0_i32_0 = arith.constant 0 : i32
    %c0_i32_1 = arith.constant 0 : i32
    return %c0_i32, %c0_i32_0 : i32, i32
  }
  func.func @transform_3(%arg0: i32) -> (i32, i32) {
    %c0_i32 = arith.constant 0 : i32
    %c0_i32_0 = arith.constant 0 : i32
    %c0_i32_1 = arith.constant 0 : i32
    return %c0_i32, %c0_i32_0 : i32, i32
  }
  func.func @transform_4(%arg0: i32) -> (i32, i32) {
    %c0_i32 = arith.constant 0 : i32
    %c20_i32 = arith.constant 20 : i32
    %c0_i32_0 = arith.constant 0 : i32
    return %c0_i32, %c20_i32 : i32, i32
  }
  func.func @transform_5(%arg0: i32) -> (i32, i32) {
    %c0_i32 = arith.constant 0 : i32
    %c20_i32 = arith.constant 20 : i32
    %c0_i32_0 = arith.constant 0 : i32
    return %c0_i32, %c20_i32 : i32, i32
  }
  func.func @transform_6(%arg0: i32) -> (i32, i32) {
    %c0_i32 = arith.constant 0 : i32
    %c20_i32 = arith.constant 20 : i32
    %c0_i32_0 = arith.constant 0 : i32
    return %c0_i32, %c20_i32 : i32, i32
  }
  func.func @transform_7(%arg0: i32) -> (i32, i32) {
    %c0_i32 = arith.constant 0 : i32
    %c20_i32 = arith.constant 20 : i32
    %c0_i32_0 = arith.constant 0 : i32
    return %c0_i32, %c20_i32 : i32, i32
  }
  func.func @transform_8(%arg0: i32) -> (i32, i32) {
    %c0_i32 = arith.constant 0 : i32
    %c0_i32_0 = arith.constant 0 : i32
    %c0_i32_1 = arith.constant 0 : i32
    return %c0_i32, %c0_i32_0 : i32, i32
  }
  func.func @transform_9(%arg0: i32) -> i32 {
    %c0_i32 = arith.constant 0 : i32
    %c0_i32_0 = arith.constant 0 : i32
    return %c0_i32 : i32
  }
  func.func @transform_10(%arg0: i32) -> (i32, i32) {
    %c0_i32 = arith.constant 0 : i32
    %c0_i32_0 = arith.constant 0 : i32
    %c0_i32_1 = arith.constant 0 : i32
    return %c0_i32, %c0_i32_0 : i32, i32
  }
  func.func @transform_11(%arg0: i32) -> (i32, i32) {
    %c0_i32 = arith.constant 0 : i32
    %c0_i32_0 = arith.constant 0 : i32
    %c0_i32_1 = arith.constant 0 : i32
    return %c0_i32, %c0_i32_0 : i32, i32
  }
}

</mosaic_0001>

<sc_bundles>
// kernel: kernel.5.cloned.1.call-start
scs
__scs_entry_jumppad:
0x0: {  	(pc) =	sbr.rel $0x88, $3  }
0x1: {  	(tag) =	ssettag $0x0;
	lr =	simm.s32 $0x1  }
0x2: {  	[smem:$0x3F99] =	sst lr;
	_ =	strace $0xD0000000  }
0x3: {  	_ = 	snop  }
0x4: {  	_ = 	snop  }
0x5: {  	_ = 	snop  }
0x6: {  	_ = 	snop  }
0x7: {  	_ = 	snop  }
__scs_overlays_trampoline_lowered:
0x8: {  	[smem:$0x3FA8] =	sst s0  }
0x9: {  	[smem:$0x3FA9] =	sst s1  }
0xa: {  	[smem:$0x3FAA] =	sst s2  }
0xb: {  	[smem:$0x3FAB] =	sst s3  }
0xc: {  	[smem:$0x3FAC] =	sst s4  }
0xd: {  	[smem:$0x3FAD] =	sst s5  }
0xe: {  	[smem:$0x3FAE] =	sst s6  }
0xf: {  	[smem:$0x3FAF] =	sst s7  }
0x10: {  	[smem:$0x3FB0] =	sst s8  }
0x11: {  	[smem:$0x3FB1] =	sst s9;
	s0 =	simm.s32 @!p0 $0x0  }
0x12: {  	s1 =	sld [smem:$0x3F97];
	s0 =	simm.s32 @p0 $0x1  }
0x13: {  	[smem:$0x3FB2] =	sst s0;
	s0 =	simm.s32 @!p1 $0x0  }
0x14: {  	s2 =	sld [smem:$0x3F96];
	s0 =	simm.s32 @p1 $0x1  }
0x15: {  	[smem:$0x3FB3] =	sst s0;
	s0 =	simm.s32 @!p2 $0x0  }
0x16: {  	s3 =	sld [smem:$0x3FDB];
	s0 =	simm.s32 @p2 $0x1  }
0x17: {  	s4 =	simm.s32 $0x1BF5;
	[smem:$0x3FB5] =	sst s0  }
0x18: {  	s0 =	sld [smem:$0x3F98];
	_ =	swait.ge [sflag:s4], $0x0  }
0x19: {  	s7 =	sld [smem:$0x3F99]  }
0x1a: {  	s8 =	sadd.s32 $0xFFFFE003, lr  }
0x1b: {  	s9 =	sadd.s32 $0xFFFFFEF7, lr;
	s5 =	simm.s32 $0xFFFFFFFF;
	p2 =	slt.u32 s8, $0xFFFFF086  }
0x1c: {  	p1 =	slt.u32 s9, $0xF7A;
	s5 =	simm.s32 @!p2 $0x0  }
0x1d: {  	s5 =	simm.s32 @p1 $0x1;
	p0 =	seq.s32 s7, s2  }
0x1e: {  	s7 =	smul.u32 @!p0 $0xF7A, s2;
	p2 =	seq.s32 @!p0 s5, $0x0  }
0x1f: {  	s9 =	smul.u32 $0xF7A, s1;
	s8 =	simm.s32 @!p0 $0x1BF5;
	p2 =	por !p2, p0  }
0x20: {  	[sflag:s8] =	ssyncset.s32 @!p0 $0xFFFFF086;
	s6 =	sadd.s32 @!p0 s3, s7;
	s7 =	simm.s32 @!p0 $0x108  }
0x21: {  	s3 =	sadd.s32 s3, s9;
	s6 =	sadd.s32 @!p0 $0x88, s6;
	s7 =	simm.s32 @p2 $0x1082  }
0x22: {  	[simem:s7], [sflag:s8] =	dma.local @!p0 [hbm:s6], $0xF7A  }
0x23: {  	s9 =	sor.u32 $0xD0000000, s2;
	s6 =	simm.s32 $0x108;
	_ =	swait.ge @!p0 [sflag:s8], $0x0  }
0x24: {  	s3 =	sadd.s32 $0x88, s3;
	s6 =	simm.s32 @!p1 $0x1082;
	[sflag:s4] =	ssyncset.s32 $0xFFFFF086  }
0x25: {  	[simem:s6], [sflag:s4] =	dma.local [hbm:s3], $0xF7A  }
0x26: {  	[smem:$0x3F99] =	sst s1;
	(tag) =	ssettag s2;
	_ =	strace s9  }
0x27: {  	s1 =	sld [smem:$0x3FA9]  }
0x28: {  	s2 =	sld [smem:$0x3FAA]  }
0x29: {  	s4 =	sld [smem:$0x3FAC]  }
0x2a: {  	p0 =	seq.s32 s5, $0x0;
	s5 =	sld [smem:$0x3FAD]  }
0x2b: {  	s6 =	sld [smem:$0x3FAE]  }
0x2c: {  	s7 =	sld [smem:$0x3FAF]  }
0x2d: {  	s3 =	simm.s32 $0x108;
	s8 =	sld [smem:$0x3FB0]  }
0x2e: {  	s3 =	simm.s32 @!p0 $0x1082;
	s9 =	sld [smem:$0x3FB1]  }
0x2f: {  	lr =	sadd.s32 s0, s3;
	s0 =	sld [smem:$0x3FA8]  }
0x30: {  	s3 =	sld [smem:$0x3FAB]  }
0x31: {  	[smem:$0x3FB4] =	sst s10  }
0x32: {  	s10 =	sld [smem:$0x3FB2];
	_ =	sdelay $0x3  }
0x33: {  	p0 =	seq.s32 s10, $0x1;
	s10 =	sld [smem:$0x3FB4];
	_ =	sdelay $0x3  }
0x34: {  	[smem:$0x3FB4] =	sst s10  }
0x35: {  	s10 =	sld [smem:$0x3FB3];
	_ =	sdelay $0x3  }
0x36: {  	p1 =	seq.s32 s10, $0x1;
	s10 =	sld [smem:$0x3FB4];
	_ =	sdelay $0x3  }
0x37: {  	[smem:$0x3FB4] =	sst s10  }
0x38: {  	s10 =	sld [smem:$0x3FB5]  }
0x39: {  	_ = 	snop;
	(pc) =	sbr.ind lr, $3  }
0x3a: {  	_ = 	snop  }
0x3b: {  	_ = 	snop  }
0x3c: {  	p2 =	seq.s32 s10, $0x1;
	s10 =	sld [smem:$0x3FB4]  }
0x3d: {  	_ =	shalt  }
0x3e: {  	_ =	shalt  }
0x3f: {  	_ =	shalt  }
0x40: {  	_ =	shalt  }
0x41: {  	_ =	shalt  }
0x42: {  	_ =	shalt  }
0x43: {  	_ =	shalt  }
0x44: {  	_ =	shalt  }
0x45: {  	_ =	shalt  }
0x46: {  	_ =	shalt  }
0x47: {  	_ =	shalt  }
0x48: {  	_ =	shalt  }
0x49: {  	_ =	shalt  }
0x4a: {  	_ =	shalt  }
0x4b: {  	_ =	shalt  }
0x4c: {  	_ =	shalt  }
0x4d: {  	_ =	shalt  }
0x4e: {  	_ =	shalt  }
0x4f: {  	_ =	shalt  }
0x50: {  	_ =	shalt  }
0x51: {  	_ =	shalt  }
0x52: {  	_ =	shalt  }
0x53: {  	_ =	shalt  }
0x54: {  	_ =	shalt  }
0x55: {  	_ =	shalt  }
0x56: {  	_ =	shalt  }
0x57: {  	_ =	shalt  }
0x58: {  	_ =	shalt  }
0x59: {  	_ =	shalt  }
0x5a: {  	_ =	shalt  }
0x5b: {  	_ =	shalt  }
0x5c: {  	_ =	shalt  }
0x5d: {  	_ =	shalt  }
0x5e: {  	_ =	shalt  }
0x5f: {  	_ =	shalt  }
0x60: {  	_ =	shalt  }
0x61: {  	_ =	shalt  }
0x62: {  	_ =	shalt  }
0x63: {  	_ =	shalt  }
0x64: {  	_ =	shalt  }
0x65: {  	_ =	shalt  }
0x66: {  	_ =	shalt  }
0x67: {  	_ =	shalt  }
0x68: {  	_ =	shalt  }
0x69: {  	_ =	shalt  }
0x6a: {  	_ =	shalt  }
0x6b: {  	_ =	shalt  }
0x6c: {  	_ =	shalt  }
0x6d: {  	_ =	shalt  }
0x6e: {  	_ =	shalt  }
0x6f: {  	_ =	shalt  }
0x70: {  	_ =	shalt  }
0x71: {  	_ =	shalt  }
0x72: {  	_ =	shalt  }
0x73: {  	_ =	shalt  }
0x74: {  	_ =	shalt  }
0x75: {  	_ =	shalt  }
0x76: {  	_ =	shalt  }
0x77: {  	_ =	shalt  }
0x78: {  	_ =	shalt  }
0x79: {  	_ =	shalt  }
0x7a: {  	_ =	shalt  }
0x7b: {  	_ =	shalt  }
0x7c: {  	_ =	shalt  }
0x7d: {  	_ =	shalt  }
0x7e: {  	_ =	shalt  }
0x7f: {  	_ =	shalt  }
0x80: {  	_ =	shalt  }
0x81: {  	_ =	shalt  }
0x82: {  	_ =	shalt  }
0x83: {  	_ =	shalt  }
0x84: {  	_ =	shalt  }
0x85: {  	_ =	shalt  }
0x86: {  	_ =	shalt  }
0x87: {  	_ =	shalt  }
.Lfunc_end0:
.L_simem_size_0:
called_computation_lowered:
.L_overlay_start_0:
0x88: {  	s2 =	sld [smem:$0x3FD9]  }
0x89: {  	s3 =	sld [smem:$0x3FFE];
	_ =	sdelay $0x1  }
0x8a: {  	s1 =	srdreg.scid  }
0x8b: {  	s0 =	sand.u32 $0x1, s1  }
0x8c: {  	s16 =	sshll.u32 s0, $0xA;
	s2 =	sadd.s32 s3, s2  }
0x8d: {  	s2 =	sadd.s32 s2, s16  }
0x8e: {  	[smem:$0x3FC0] =	sst s2  }
0x8f: {  	_ = 	snop  }
0x90: {  	(tm) =	ssettm $0x1  }
0x91: {  	s17 =	sld [smem:$0x3FFB];
	_ =	sdelay $0x3  }
0x92: {  	_ =	strace s17  }
0x93: {  	s2 =	sld [smem:$0x3FFC];
	_ =	sdelay $0x3  }
0x94: {  	_ =	strace s2  }
0x95: {  	s2 =	sld [smem:$0x3FFD];
	_ =	sdelay $0x3  }
0x96: {  	_ =	strace s2  }
0x97: {  	_ =	strace $0x8FFFFFFF  }
0x98: {  	s18 =	sld [smem:$0x3FDB];
	_ =	sdelay $0x1  }
0x99: {  	s19 =	simm.s32 $_scs_section_size  }
0x9a: {  	s4 =	simm.s32 $_size__tile_overlayer_lowered;
	s5 =	simm.s32 $_tile_overlayer_lowered  }
0x9b: {  	s22 =	simm.s32 $0x1BFF;
	s21 =	sshll.u32 s5, $0x1;
	s2 =	sadd.s32 s19, s18  }
0x9c: {  	s6 =	simm.s32 $0x0;
	s20 =	sshll.u32 s4, $0x1;
	s4 =	sadd.s32 s21, s2  }
0x9d: {  	[timem:s6], [sflag:s22] =	dma.local [hbm:s4], s20  }
0x9e: {  	_ =	swait.ge [sflag:s22], s20  }
0x9f: {  	s3 =	ssub.s32 $0x0, s20;
	[sflag:s22] =	ssyncset.done $0x0  }
0xa0: {  	[sflag:s22] =	ssyncadd.s32 s3;
	_ =	sdelay $0x1  }
0xa1: {  	s23 =	simm.s32 $0x1B8B  }
0xa2: {  	_ =	swait.ge [sflag:s23], $0x1  }
0xa3: {  	[sflag:s23] =	ssyncset.done $0x0  }
0xa4: {  	s25 =	simm.s32 $0x1B8E;
	s24 =	sld [smem:$0x3FFE];
	[sflag:s23] =	ssyncadd.s32 $0xFFFFFFFF  }
0xa5: {  	s26 =	simm.s32 $execute0_lowered;
	[smem:$0x3FD2] =	sst s25  }
0xa6: {  	s4 =	sshll.u32 s26, $0x1;
	_ =	strace $0x80000046;
	[dreg:$0x1] =	wrdreg $0xFFFFFFFF  }
0xa7: {  	s28 =	simm.s32 $_size_execute0_lowered;
	s2 =	sadd.s32 s2, s4;
	[dreg:$0x0] =	wrdreg $0x0  }
0xa8: {  	s4 =	sshll.u32 s28, $0x1;
	[dreg:$0x2] =	wrdreg s2  }
0xa9: {  	[dreg:$0x3] =	wrdreg s4  }
0xaa: {  	[dreg:$0x4] =	wrdreg $0xC0  }
0xab: {  	_ =	task [dreg:s6], $0x5FFFF  }
0xac: {  	[dreg:$0x1] =	wrdreg $0xFFFFFFFF  }
0xad: {  	[dreg:$0x0] =	wrdreg $0x60  }
0xae: {  	[dreg:$0x2] =	wrdreg s24  }
0xaf: {  	[dreg:$0x3] =	wrdreg $0x9  }
0xb0: {  	_ =	task.clear_ibuf [dreg:s6], $0x4FFFF;
	_ =	strace $0x90000046  }
0xb1: {  	s29 =	simm.s32 $0x9;
	_ =	strace $0x80000048  }
0xb2: {  	_ =	swait.ge [sflag:s29], $0x1  }
0xb3: {  	[sflag:s29] =	ssyncadd.s32 $0xFFFFFFFF  }
0xb4: {  	_ =	strace $0x90000048  }
0xb5: {  	_ =	sfence  }
0xb6: {  	s30 =	sld [smem:$0x0];
	_ =	sdelay $0x2  }
0xb7: {  	s31 =	sshll.u32 s1, $0xD;
	s1 =	sshrl.u32 s1, $0x2  }
0xb8: {  	s3 =	sand.u32 $0x4000, s31;
	s1 =	sadd.s32 s1, s30  }
0xb9: {  	s0 =	sor.u32 s3, s0;
	s1 =	sshll.u32 s1, $0x11  }
0xba: {  	s0 =	sor.u32 s1, s0  }
0xbb: {  	s0 =	sadd.s32 $0x8F2B, s0  }
0xbc: {  	[sflag:s0] =	ssyncadd.remote.s32 $0x1  }
0xbd: {  	_ =	sfence.sel $0xFFFF  }
0xbe: {  	[dreg:$0x0] =	wrdreg $0xFFFFFFFF;
	(pc) =	sbr.abs _section_cstart, $3  }
0xbf: {  	[dreg:$0x1] =	wrdreg $0xFFFFFFFF  }
0xc0: {  	_ =	task.clear_ibuf [dreg:s6], $0x2FFFF;
	_ =	strace $0x9FFFFFFF  }
0xc1: {  	(tm) =	ssettm $0x7FFFFFFF  }
tec
execute0_lowered:
.L_overlay_start_1:
0x0: {  	(tag) =	ssettag $0x1  }
0x1: {  	s1 =	srdreg.scid;
	s0 =	stileid.u32  }
0x2: {  	s18 =	sand.u32 $0x1, s1;
	s31 =	sshll.u32 s0, $0x1  }
0x3: {  	s1 =	sor.u32 s18, s31  }
0x4: {  	s13 =	rddreg [dreg:$0x0];
	s2 =	simm.s32 $0x0;
	s3 =	smul.u32 $0x150, s1  }
0x5: {  	[smem:$0x7FF] =	sst s2  }
0x6: {  	s1 =	rddreg [dreg:$0x1];
	s19 =	sadd.s32 s3, s13  }
0x7: {  	_ =	strace $0x80000047;
	s3 =	simm.s32 $0x2;
	s4 =	sadd.s32 $0x7F600, s19  }
0x8: {  	[tilespmem:s2], [sflag:$0x2] =	stream.linear.gather [hbm4b:s4+s2], $0xA80, $0x38;
	[tilespmem:$0x3F00] =	vst v63  }
0x9: {  	_ =	swait.ge [sflag:s3], $0xA80  }
0xa: {  	[sflag:s3] =	ssyncset.done $0x0  }
0xb: {  	s6 =	simm.s32 $0xA80;
	s5 =	sadd.s32 $0x7CC00, s19;
	[sflag:s3] =	ssyncadd.s32 $0xFFFFF580  }
0xc: {  	[tilespmem:s6], [sflag:$0x2] =	stream.linear.gather [hbm4b:s5+s2], $0xA80, $0x38;
	[tilespmem:$0x3F00] =	vst v63  }
0xd: {  	_ =	swait.ge [sflag:s3], $0xA80  }
0xe: {  	[sflag:s3] =	ssyncset.done $0x0  }
0xf: {  	s8 =	simm.s32 $0x1500;
	s7 =	sadd.s32 $0x2400, s13;
	[sflag:s3] =	ssyncadd.s32 $0xFFFFF580  }
0x10: {  	[tilespmem:s8], [sflag:$0x1] =	stream.indirect.gather [hbm4b:s7+s6], $0x1, s2, s6, $0xb8;
	[tilespmem:$0x3F00] =	vst v63  }
0x11: {  	s10 =	simm.s32 $0x1F80;
	s9 =	sadd.s32 $0x20E00, s13  }
0x12: {  	[tilespmem:s10], [sflag:$0x1] =	stream.indirect.gather [hbm4b:s9+s6], $0x1, s2, s6, $0xb8;
	[tilespmem:$0x3F00] =	vst v63  }
0x13: {  	s12 =	simm.s32 $0x2A00;
	s11 =	sadd.s32 $0x3F800, s13  }
0x14: {  	[tilespmem:s12], [sflag:$0x1] =	stream.indirect.gather [hbm4b:s11+s6], $0x1, s6, s6, $0xb8;
	[tilespmem:$0x3F00] =	vst v63  }
0x15: {  	s14 =	simm.s32 $0x3480;
	s15 =	simm.s32 $0x1;
	s13 =	sadd.s32 $0x5E200, s13  }
0x16: {  	[tilespmem:s14], [sflag:$0x1] =	stream.indirect.gather [hbm4b:s13+s6], $0x1, s6, s6, $0xb8;
	[tilespmem:$0x3F00] =	vst v63  }
0x17: {  	_ =	swait.ge [sflag:s15], $0xA80  }
0x18: {  	[sflag:s15] =	ssyncset.done $0x0  }
0x19: {  	[sflag:s15] =	ssyncadd.s32 $0xFFFFF580  }
0x1a: {  	_ =	swait.ge [sflag:s15], $0xA80  }
0x1b: {  	[sflag:s15] =	ssyncset.done $0x0  }
0x1c: {  	[sflag:s15] =	ssyncadd.s32 $0xFFFFF580  }
0x1d: {  	_ =	swait.ge [sflag:s15], $0xA80  }
0x1e: {  	[sflag:s15] =	ssyncset.done $0x0  }
0x1f: {  	[sflag:s15] =	ssyncadd.s32 $0xFFFFF580  }
0x20: {  	_ =	swait.ge [sflag:s15], $0xA80  }
0x21: {  	[sflag:s15] =	ssyncset.done $0x0  }
0x22: {  	s16 =	sadd.s32 $0x82000, s19;
	[sflag:s15] =	ssyncadd.s32 $0xFFFFF580  }
0x23: {  	[hbm4b:s16+s2] =	stream.linear.scatter [tilespmem:s8], [sflag:$0x2], $0xA80, $0x38;
	[tilespmem:$0x3F00] =	vst v63  }
0x24: {  	_ =	swait.ge [sflag:s3], $0xA80  }
0x25: {  	[sflag:s3] =	ssyncset.done $0x0  }
0x26: {  	s20 =	ssub.s32 $0x2, s18;
	s17 =	sadd.s32 $0x84A00, s19;
	[sflag:s3] =	ssyncadd.s32 $0xFFFFF580  }
0x27: {  	[hbm4b:s17+s2] =	stream.linear.scatter [tilespmem:s10], [sflag:$0x2], $0xA80, $0x38;
	[tilespmem:$0x3F00] =	vst v63  }
0x28: {  	s21 =	sshrl.u32 s20, $0x1;
	_ =	swait.ge [sflag:s3], $0xA80  }
0x29: {  	s20 =	ssub.s32 s20, s21;
	[sflag:s3] =	ssyncset.done $0x0  }
0x2a: {  	s20 =	smax.u32 s20, $0x1;
	s18 =	sadd.s32 $0x87400, s19;
	[sflag:s3] =	ssyncadd.s32 $0xFFFFF580  }
0x2b: {  	[hbm4b:s18+s2] =	stream.linear.scatter [tilespmem:s12], [sflag:$0x2], $0xA80, $0x38;
	[tilespmem:$0x3F00] =	vst v63  }
0x2c: {  	p0 =	sne.s32 s20, $0x1;
	_ =	swait.ge [sflag:s3], $0xA80  }
.Ltmp0:
0x2d: {  	[sflag:s3] =	ssyncset.done $0x0;
	(pc) =	sbr.rel @!p0 .LBB2_2-.Ltmp0, $4  }
0x2e: {  	s19 =	sadd.s32 $0x89E00, s19;
	[sflag:s3] =	ssyncadd.s32 $0xFFFFF580  }
0x2f: {  	[hbm4b:s19+s2] =	stream.linear.scatter [tilespmem:s14], [sflag:$0x2], $0xA80, $0x38;
	[tilespmem:$0x3F00] =	vst v63  }
0x30: {  	_ =	swait.ge [sflag:s3], $0xA80  }
0x31: {  	s20 =	sadd.s32 $0xFFFFFFFF, s20;
	[sflag:s3] =	ssyncset.done $0x0  }
.LBB2_1:
0x32: {  	p0 =	sne.s32 s20, $0x1;
	s20 =	sadd.s32 $0xFFFFFFFF, s20;
	[sflag:s3] =	ssyncadd.s32 $0xFFFFF580  }
0x33: {  	[tilespmem:s2], [sflag:$0x2] =	stream.linear.gather [hbm4b:s4+s2], $0xA80, $0x38;
	[tilespmem:$0x3F00] =	vst v63  }
0x34: {  	_ =	swait.ge [sflag:s3], $0xA80  }
0x35: {  	[sflag:s3] =	ssyncset.done $0x0  }
0x36: {  	[sflag:s3] =	ssyncadd.s32 $0xFFFFF580  }
0x37: {  	[tilespmem:s6], [sflag:$0x2] =	stream.linear.gather [hbm4b:s5+s2], $0xA80, $0x38;
	[tilespmem:$0x3F00] =	vst v63  }
0x38: {  	_ =	swait.ge [sflag:s3], $0xA80  }
0x39: {  	[sflag:s3] =	ssyncset.done $0x0  }
0x3a: {  	[sflag:s3] =	ssyncadd.s32 $0xFFFFF580  }
0x3b: {  	[tilespmem:s8], [sflag:$0x1] =	stream.indirect.gather [hbm4b:s7+s6], $0x1, s2, s6, $0xb8;
	[tilespmem:$0x3F00] =	vst v63  }
0x3c: {  	_ = 	snop  }
0x3d: {  	[tilespmem:s10], [sflag:$0x1] =	stream.indirect.gather [hbm4b:s9+s6], $0x1, s2, s6, $0xb8;
	[tilespmem:$0x3F00] =	vst v63  }
0x3e: {  	_ = 	snop  }
0x3f: {  	[tilespmem:s12], [sflag:$0x1] =	stream.indirect.gather [hbm4b:s11+s6], $0x1, s6, s6, $0xb8;
	[tilespmem:$0x3F00] =	vst v63  }
0x40: {  	_ = 	snop  }
0x41: {  	[tilespmem:s14], [sflag:$0x1] =	stream.indirect.gather [hbm4b:s13+s6], $0x1, s6, s6, $0xb8;
	[tilespmem:$0x3F00] =	vst v63  }
0x42: {  	_ =	swait.ge [sflag:s15], $0xA80  }
0x43: {  	[sflag:s15] =	ssyncset.done $0x0  }
0x44: {  	[sflag:s15] =	ssyncadd.s32 $0xFFFFF580  }
0x45: {  	_ =	swait.ge [sflag:s15], $0xA80  }
0x46: {  	[sflag:s15] =	ssyncset.done $0x0  }
0x47: {  	[sflag:s15] =	ssyncadd.s32 $0xFFFFF580  }
0x48: {  	_ =	swait.ge [sflag:s15], $0xA80  }
0x49: {  	[sflag:s15] =	ssyncset.done $0x0  }
0x4a: {  	[sflag:s15] =	ssyncadd.s32 $0xFFFFF580  }
0x4b: {  	_ =	swait.ge [sflag:s15], $0xA80  }
0x4c: {  	[sflag:s15] =	ssyncset.done $0x0  }
0x4d: {  	[sflag:s15] =	ssyncadd.s32 $0xFFFFF580  }
0x4e: {  	[hbm4b:s16+s2] =	stream.linear.scatter [tilespmem:s8], [sflag:$0x2], $0xA80, $0x38;
	[tilespmem:$0x3F00] =	vst v63  }
0x4f: {  	_ =	swait.ge [sflag:s3], $0xA80  }
0x50: {  	[sflag:s3] =	ssyncset.done $0x0  }
0x51: {  	[sflag:s3] =	ssyncadd.s32 $0xFFFFF580  }
0x52: {  	[hbm4b:s17+s2] =	stream.linear.scatter [tilespmem:s10], [sflag:$0x2], $0xA80, $0x38;
	[tilespmem:$0x3F00] =	vst v63  }
0x53: {  	_ =	swait.ge [sflag:s3], $0xA80  }
0x54: {  	[sflag:s3] =	ssyncset.done $0x0  }
0x55: {  	[sflag:s3] =	ssyncadd.s32 $0xFFFFF580  }
0x56: {  	[hbm4b:s18+s2] =	stream.linear.scatter [tilespmem:s12], [sflag:$0x2], $0xA80, $0x38;
	[tilespmem:$0x3F00] =	vst v63  }
0x57: {  	_ =	swait.ge [sflag:s3], $0xA80  }
.Ltmp1:
0x58: {  	[sflag:s3] =	ssyncset.done $0x0;
	(pc) =	sbr.rel @p0 .LBB2_1-.Ltmp1, $4  }
0x59: {  	[sflag:s3] =	ssyncadd.s32 $0xFFFFF580  }
0x5a: {  	[hbm4b:s19+s2] =	stream.linear.scatter [tilespmem:s14], [sflag:$0x2], $0xA80, $0x38;
	[tilespmem:$0x3F00] =	vst v63  }
0x5b: {  	_ =	swait.ge [sflag:s3], $0xA80  }
0x5c: {  	[sflag:s3] =	ssyncset.done $0x0  }
.LBB2_2:
0x5d: {  	[sflag:s3] =	ssyncadd.s32 $0xFFFFF580  }
0x5e: {  	_ =	sfence.sel $0x180000  }
0x5f: {  	[bflag:$0x0] =	sbarrier.arrive $0xFFFF  }
0x60: {  	p0 =	sne.s32 s0, $0x0;
	_ =	strace $0x90000047  }
0x61: {  	s0 =	sadd.s32 @!p0 $0x100000, s1;
	[bflag:$0x2] =	sbarrier.arrive $0xFFFF  }
0x62: {  	[sflag:s0] =	ssyncadd.tile.s32 @!p0 $0x1;
	_ =	shalt  }
.Lfunc_end2:
_tile_overlayer_lowered:
.L_overlay_start_2:
0x63: {  	(tag) =	ssettag $0x2  }
0x64: {  	s0 =	rddreg [dreg:$0x0];
	s2 =	stileid.u32  }
0x65: {  	s1 =	rddreg [dreg:$0x1];
	p0 =	sne.s32 s2, $0x0  }
0x66: {  	s3 =	rddreg [dreg:$0x2];
	[bflag:$0x3] =	sbarrier.arrive $0xFFFF;
	s2 =	simm.s32 @!p0 $0x1C02  }
0x67: {  	[timem:s3], [sflag:s2] =	dma.local @!p0 [hbm:s0], s1  }
0x68: {  	s0 =	simm.s32 @!p0 $0x2  }
0x69: {  	_ =	swait.ge @!p0 [sflag:s0], s1  }
0x6a: {  	s1 =	ssub.s32 @!p0 $0x0, s1;
	[sflag:s0] =	ssyncset.done @!p0 $0x0  }
0x6b: {  	[sflag:s0] =	ssyncadd.s32 @!p0 s1  }
0x6c: {  	[bflag:$0x3] =	sbarrier.arrive $0xFFFF  }
0x6d: {  	_ =	shalt  }

</sc_bundles>
